<compile_context>
chip_gen: v7x
topology: tpu7x:2x2x1
jax: 0.10.2.dev20260603
libtpu: 0.0.44.dev20260713+nightly
codegen_flags: <defaults>
</compile_context>

<pallas_src>
import functools

import jax
import jax.numpy as jnp
from jax import lax
from jax.experimental import pallas as pl
from jax.experimental.pallas import tpu as pltpu
from jax.experimental.pallas import tpu_sc as plsc

NC = 2
NS = 16
NW = NC * NS
L = 16

ROWS = 160
BCH = ROWS * 128
UNROLL = 8


def _make_kernel(M, B_pad):
    base_sz = (M // NW) // 8 * 8
    last_sz = M - (NW - 1) * base_sz
    assert last_sz % 8 == 0 and last_sz >= base_sz
    n_chunks = B_pad // BCH
    assert B_pad % BCH == 0 and L * UNROLL == 128

    mesh = plsc.VectorSubcoreMesh(
        core_axis_name="c", subcore_axis_name="s", num_cores=NC, num_subcores=NS
    )

    @functools.partial(
        pl.kernel,
        out_type=jax.ShapeDtypeStruct((M,), jnp.int32),
        mesh=mesh,
        scratch_types=[
            pltpu.VMEM((last_sz + 8,), jnp.int32),
            pltpu.VMEM((BCH,), jnp.int32),
            pltpu.VMEM((BCH,), jnp.int32),
            pltpu.VMEM((ROWS, 128), jnp.int32),
            pltpu.VMEM((ROWS, 128), jnp.int32),
            pltpu.VMEM_SHARED((ROWS, 128), jnp.int32),
            pltpu.VMEM_SHARED((ROWS, 128), jnp.int32),
            pltpu.SemaphoreType.DMA,
            pltpu.SemaphoreType.DMA,
            pltpu.SemaphoreType.DMA,
            pltpu.SemaphoreType.DMA,
            pltpu.SemaphoreType.DMA,
            pltpu.SemaphoreType.DMA,
        ],
        compiler_params=pltpu.CompilerParams(needs_layout_passes=False),
    )
    def scatter_kernel(in_hbm, idx_hbm, val_hbm, out_hbm,
                       local, idxb0, idxb1, valb0, valb1, sval0, sval1,
                       isem0, isem1, vsem0, vsem1, ssem0, ssem1):
        idxbufs = [idxb0, idxb1]
        valbufs = [valb0, valb1]
        svals = [sval0, sval1]
        isems = [isem0, isem1]
        vsems = [vsem0, vsem1]
        ssems = [ssem0, ssem1]
        sid = lax.axis_index("s")
        wid = sid * NC + lax.axis_index("c")
        base = wid * base_sz
        is_last = wid == NW - 1
        n_local = jnp.where(is_last, last_sz, base_sz)
        vbase = jnp.full((L,), base, jnp.int32)
        vn = jnp.full((L,), n_local, jnp.uint32)

        def start_idx_fetch(c):
            slot = c % 2
            pltpu.async_copy(idx_hbm.at[pl.ds(c * BCH, BCH)], idxbufs[slot],
                             isems[slot])

        def wait_idx_fetch(c):
            slot = c % 2
            pltpu.make_async_copy(idx_hbm.at[pl.ds(c * BCH, BCH)],
                                  idxbufs[slot], isems[slot]).wait()

        def start_stage_val(c):
            slot = c % 2
            pltpu.async_copy(val_hbm.at[pl.ds(c * ROWS, ROWS), :],
                             svals[slot], ssems[slot])

        def wait_stage_val(c):
            slot = c % 2
            pltpu.make_async_copy(val_hbm.at[pl.ds(c * ROWS, ROWS), :],
                                  svals[slot], ssems[slot]).wait()

        def start_pull_val(c):
            slot = c % 2
            pltpu.async_copy(svals[slot], valbufs[slot], vsems[slot])

        def wait_pull_val(c):
            slot = c % 2
            pltpu.make_async_copy(svals[slot], valbufs[slot],
                                  vsems[slot]).wait()

        @pl.when(sid == 0)
        def _():
            start_stage_val(0)

        start_idx_fetch(0)

        @pl.when(jnp.logical_not(is_last))
        def _():
            pltpu.sync_copy(in_hbm.at[pl.ds(base, base_sz)],
                            local.at[pl.ds(0, base_sz)])

        @pl.when(is_last)
        def _():
            pltpu.sync_copy(in_hbm.at[pl.ds(base, last_sz)],
                            local.at[pl.ds(0, last_sz)])

        @pl.when(sid == 0)
        def _():
            wait_stage_val(0)

        plsc.subcore_barrier()
        if n_chunks > 1:
            @pl.when(sid == 0)
            def _():
                start_stage_val(1)
        start_pull_val(0)

        for c in range(n_chunks):
            slot = c % 2
            wait_pull_val(c)
            if c + 1 < n_chunks:
                @pl.when(sid == 0)
                def _():
                    wait_stage_val(c + 1)
            plsc.subcore_barrier()
            if c + 2 < n_chunks:
                @pl.when(sid == 0)
                def _():
                    start_stage_val(c + 2)
            if c + 1 < n_chunks:
                start_pull_val(c + 1)
            wait_idx_fetch(c)
            if c + 1 < n_chunks:
                start_idx_fetch(c + 1)

            idxb = idxbufs[slot]
            valb = valbufs[slot]

            def body(j, carry):
                locs, vals = [], []
                for u in range(UNROLL):
                    off = pl.multiple_of(j * 128 + u * L, L)
                    loc = plsc.bitcast(idxb[pl.ds(off, L)] - vbase, jnp.uint32)
                    locs.append(plsc.bitcast(jnp.minimum(loc, vn), jnp.int32))
                    vals.append(valb[j, pl.ds(u * L, L)])
                for u in range(UNROLL):
                    plsc.store_scatter(local, [locs[u]], vals[u])
                return carry

            lax.fori_loop(0, ROWS, body, 0)

        @pl.when(jnp.logical_not(is_last))
        def _():
            pltpu.sync_copy(local.at[pl.ds(0, base_sz)],
                            out_hbm.at[pl.ds(base, base_sz)])

        @pl.when(is_last)
        def _():
            pltpu.sync_copy(local.at[pl.ds(0, last_sz)],
                            out_hbm.at[pl.ds(base, last_sz)])

    return scatter_kernel


@jax.jit
def kernel(input, index, value):
    M = input.shape[0]
    B = index.shape[0]
    B_pad = -(-B // BCH) * BCH
    idx_pad = jnp.concatenate(
        [index.astype(jnp.int32), jnp.full((B_pad - B,), M, jnp.int32)])
    val_pad = jnp.concatenate(
        [value.astype(jnp.int32), jnp.zeros((B_pad - B,), jnp.int32)])
    out = _make_kernel(M, B_pad)(
        input.astype(jnp.int32), idx_pad, val_pad.reshape(B_pad // 128, 128)
    )
    return out.astype(input.dtype)

# --- scband reference (transcript-rebuilt; emitter-appended) ---
"""Pipeline reference for scband-index-put-hacked-twin1-dint-non-accumulate-module-39444979647281 (READ-ONLY COPY).

The authoritative reference and input builder live on the scoring server;
editing this copy changes nothing except your own understanding.
"""

import jax, jax.numpy as jnp
import numpy as np


def setup_inputs(seed: int = 0) -> dict:
    key = jax.random.key(seed)
    k1, k2, k3 = jax.random.split(key, 3)
    M = 1000000
    B = 100000
    input_ = jax.random.randint(k1, (M,), 0, 1000, dtype=jnp.int64) if jax.config.jax_enable_x64 else jax.random.randint(k1, (M,), 0, 1000).astype(jnp.int64)
    index = jax.random.randint(k2, (B,), 0, M).astype(jnp.int64)
    value = jax.random.randint(k3, (B,), 0, 1000).astype(jnp.int64)
    return {"input": input_, "index": index, "value": value}


def reference(input, index, value):
    # torch.ops.aten.index_put(input, [index], value, accumulate=False)
    # non-accumulating scatter-overwrite into a 1D int64 tensor
    out = input.at[index].set(value)
    return out

if __name__ == "__main__":
    import jax
    _d = setup_inputs()
    print(jax.jit(kernel)(*tuple(_d.values())))

</pallas_src>

<mosaic_0001>
#map = affine_map<(d0, d1) -> (0)>
#map1 = affine_map<(d0, d1) -> (0, 0)>
module attributes {stable_mosaic.version = 14 : i64} {
  func.func @scatter_kernel(%arg0: i32, %arg1: i32, %arg2: memref<1000000xi32, #tpu.memory_space<hbm>>, %arg3: memref<102400xi32, #tpu.memory_space<hbm>>, %arg4: memref<800x128xi32, #tpu.memory_space<hbm>>, %arg5: memref<1000000xi32, #tpu.memory_space<hbm>>, %arg6: memref<31320xi32, #tpu.memory_space<vmem>>, %arg7: memref<20480xi32, #tpu.memory_space<vmem>>, %arg8: memref<20480xi32, #tpu.memory_space<vmem>>, %arg9: memref<160x128xi32, #tpu.memory_space<vmem>>, %arg10: memref<160x128xi32, #tpu.memory_space<vmem>>, %arg11: memref<160x128xi32, #tpu.memory_space<vmem_shared>>, %arg12: memref<160x128xi32, #tpu.memory_space<vmem_shared>>, %arg13: memref<!tpu.dma_semaphore, #tpu.memory_space<semaphore_mem>>, %arg14: memref<!tpu.dma_semaphore, #tpu.memory_space<semaphore_mem>>, %arg15: memref<!tpu.dma_semaphore, #tpu.memory_space<semaphore_mem>>, %arg16: memref<!tpu.dma_semaphore, #tpu.memory_space<semaphore_mem>>, %arg17: memref<!tpu.dma_semaphore, #tpu.memory_space<semaphore_mem>>, %arg18: memref<!tpu.dma_semaphore, #tpu.memory_space<semaphore_mem>>) attributes {dimension_semantics = [#tpu.dimension_semantics<core_parallel>, #tpu.dimension_semantics<subcore_parallel>], iteration_bounds = array<i64: 2, 16>, scalar_prefetch = 0 : i64, scratch_operands = 13 : i64, tpu.core_type = #tpu.core_type<sc_vector_subcore>, window_params = [{transform_indices = #map}, {transform_indices = #map}, {transform_indices = #map1}, {transform_indices = #map}]} {
    %mul3A = arith.constant 2 : i32
    %mul3A_0 = arith.muli %arg1, %mul3A : i32
    %add3A = arith.addi %mul3A_0, %arg0 : i32
    %mul3A_1 = arith.constant 31248 : i32
    %mul3A_2 = arith.muli %add3A, %mul3A_1 : i32
    %eq3A = arith.constant 31 : i32
    %eq3A_3 = arith.cmpi eq, %add3A, %eq3A : i32
    %jit3A = arith.constant 31312 : i32
    %jit3A_4 = arith.constant 31248 : i32
    %select_n3A = arith.select %eq3A_3, %jit3A, %jit3A_4 : i32
    %broadcast_in_dim3A = vector.broadcast %mul3A_2 : i32 to vector<16xi32>
    %broadcast_in_dim3A_5 = vector.broadcast %select_n3A : i32 to vector<16xi32>
    %eq3A_6 = arith.constant 0 : i32
    %eq3A_7 = arith.cmpi eq, %arg1, %eq3A_6 : i32
    %convert_element_type3A = arith.extui %eq3A_7 : i1 to i32
    %cond3A = arith.constant 0 : i32
    %cond3A_8 = arith.cmpi ne, %convert_element_type3A, %cond3A : i32
    scf.if %cond3A_8 {
      %dma_start3A_141 = arith.constant 0 : i32
      %dma_start3A_142 = arith.constant 0 : i32
      %dma_start3A_143 = tpu.memref_slice %arg4[%dma_start3A_141, %dma_start3A_142] : memref<800x128xi32, #tpu.memory_space<hbm>> -> memref<160x128xi32, #tpu.memory_space<hbm>>
      tpu.enqueue_dma source(%dma_start3A_143 : memref<160x128xi32, #tpu.memory_space<hbm>>) target(%arg11 : memref<160x128xi32, #tpu.memory_space<vmem_shared>>) target_semaphore(%arg17 : memref<!tpu.dma_semaphore, #tpu.memory_space<semaphore_mem>>)
    } else {
    }
    %dma_start3A = arith.constant 0 : i32
    %dma_start3A_9 = tpu.memref_slice %arg3[%dma_start3A] : memref<102400xi32, #tpu.memory_space<hbm>> -> memref<20480xi32, #tpu.memory_space<hbm>>
    %dma_start3A_10 = arith.constant 0 : i32
    %dma_start3A_11 = tpu.memref_slice %arg3[%dma_start3A_10] : memref<102400xi32, #tpu.memory_space<hbm>> -> memref<20480xi32, #tpu.memory_space<hbm>>
    tpu.enqueue_dma source(%dma_start3A_11 : memref<20480xi32, #tpu.memory_space<hbm>>) target(%arg7 : memref<20480xi32, #tpu.memory_space<vmem>>) target_semaphore(%arg13 : memref<!tpu.dma_semaphore, #tpu.memory_space<semaphore_mem>>)
    %not3A = arith.constant true
    %not3A_12 = arith.xori %eq3A_3, %not3A : i1
    %convert_element_type3A_13 = arith.extui %not3A_12 : i1 to i32
    %cond3A_14 = arith.constant 0 : i32
    %cond3A_15 = arith.cmpi ne, %convert_element_type3A_13, %cond3A_14 : i32
    scf.if %cond3A_15 {
      "tpu.region"() ({
        %run_scoped3A = tpu.sem_alloc : memref<!tpu.dma_semaphore, #tpu.memory_space<semaphore_mem>>
        %dma_start3A_141 = arith.constant 0 : i32
        %dma_start3A_142 = tpu.memref_slice %arg6[%dma_start3A_141] : memref<31320xi32, #tpu.memory_space<vmem>> -> memref<31248xi32, #tpu.memory_space<vmem>>
        %dma_start3A_143 = tpu.memref_slice %arg2[%mul3A_2] : memref<1000000xi32, #tpu.memory_space<hbm>> -> memref<31248xi32, #tpu.memory_space<hbm>>
        %dma_start3A_144 = arith.constant 0 : i32
        %dma_start3A_145 = tpu.memref_slice %arg6[%dma_start3A_144] : memref<31320xi32, #tpu.memory_space<vmem>> -> memref<31248xi32, #tpu.memory_space<vmem>>
        %dma_start3A_146 = tpu.memref_slice %arg2[%mul3A_2] : memref<1000000xi32, #tpu.memory_space<hbm>> -> memref<31248xi32, #tpu.memory_space<hbm>>
        tpu.enqueue_dma source(%dma_start3A_146 : memref<31248xi32, #tpu.memory_space<hbm>>) target(%dma_start3A_145 : memref<31248xi32, #tpu.memory_space<vmem>>) target_semaphore(%run_scoped3A : memref<!tpu.dma_semaphore, #tpu.memory_space<semaphore_mem>>)
        %dma_wait3A_147 = arith.constant 0 : i32
        %dma_wait3A_148 = tpu.memref_slice %arg6[%dma_wait3A_147] : memref<31320xi32, #tpu.memory_space<vmem>> -> memref<31248xi32, #tpu.memory_space<vmem>>
        %dma_wait3A_149 = tpu.memref_slice %arg2[%mul3A_2] : memref<1000000xi32, #tpu.memory_space<hbm>> -> memref<31248xi32, #tpu.memory_space<hbm>>
        %dma_wait3A_150 = arith.constant 0 : i32
        %dma_wait3A_151 = tpu.memref_slice %arg6[%dma_wait3A_150] : memref<31320xi32, #tpu.memory_space<vmem>> -> memref<31248xi32, #tpu.memory_space<vmem>>
        %dma_wait3A_152 = tpu.memref_slice %arg2[%mul3A_2] : memref<1000000xi32, #tpu.memory_space<hbm>> -> memref<31248xi32, #tpu.memory_space<hbm>>
        tpu.wait_dma2 semaphore(%run_scoped3A : memref<!tpu.dma_semaphore, #tpu.memory_space<semaphore_mem>>) src(%dma_wait3A_152 : memref<31248xi32, #tpu.memory_space<hbm>>) dst(%dma_wait3A_151 : memref<31248xi32, #tpu.memory_space<vmem>>)
        tpu.yield
      }) : () -> ()
    } else {
    }
    %convert_element_type3A_16 = arith.extui %eq3A_3 : i1 to i32
    %cond3A_17 = arith.constant 0 : i32
    %cond3A_18 = arith.cmpi ne, %convert_element_type3A_16, %cond3A_17 : i32
    scf.if %cond3A_18 {
      "tpu.region"() ({
        %run_scoped3A = tpu.sem_alloc : memref<!tpu.dma_semaphore, #tpu.memory_space<semaphore_mem>>
        %dma_start3A_141 = arith.constant 0 : i32
        %dma_start3A_142 = tpu.memref_slice %arg6[%dma_start3A_141] : memref<31320xi32, #tpu.memory_space<vmem>> -> memref<31312xi32, #tpu.memory_space<vmem>>
        %dma_start3A_143 = tpu.memref_slice %arg2[%mul3A_2] : memref<1000000xi32, #tpu.memory_space<hbm>> -> memref<31312xi32, #tpu.memory_space<hbm>>
        %dma_start3A_144 = arith.constant 0 : i32
        %dma_start3A_145 = tpu.memref_slice %arg6[%dma_start3A_144] : memref<31320xi32, #tpu.memory_space<vmem>> -> memref<31312xi32, #tpu.memory_space<vmem>>
        %dma_start3A_146 = tpu.memref_slice %arg2[%mul3A_2] : memref<1000000xi32, #tpu.memory_space<hbm>> -> memref<31312xi32, #tpu.memory_space<hbm>>
        tpu.enqueue_dma source(%dma_start3A_146 : memref<31312xi32, #tpu.memory_space<hbm>>) target(%dma_start3A_145 : memref<31312xi32, #tpu.memory_space<vmem>>) target_semaphore(%run_scoped3A : memref<!tpu.dma_semaphore, #tpu.memory_space<semaphore_mem>>)
        %dma_wait3A_147 = arith.constant 0 : i32
        %dma_wait3A_148 = tpu.memref_slice %arg6[%dma_wait3A_147] : memref<31320xi32, #tpu.memory_space<vmem>> -> memref<31312xi32, #tpu.memory_space<vmem>>
        %dma_wait3A_149 = tpu.memref_slice %arg2[%mul3A_2] : memref<1000000xi32, #tpu.memory_space<hbm>> -> memref<31312xi32, #tpu.memory_space<hbm>>
        %dma_wait3A_150 = arith.constant 0 : i32
        %dma_wait3A_151 = tpu.memref_slice %arg6[%dma_wait3A_150] : memref<31320xi32, #tpu.memory_space<vmem>> -> memref<31312xi32, #tpu.memory_space<vmem>>
        %dma_wait3A_152 = tpu.memref_slice %arg2[%mul3A_2] : memref<1000000xi32, #tpu.memory_space<hbm>> -> memref<31312xi32, #tpu.memory_space<hbm>>
        tpu.wait_dma2 semaphore(%run_scoped3A : memref<!tpu.dma_semaphore, #tpu.memory_space<semaphore_mem>>) src(%dma_wait3A_152 : memref<31312xi32, #tpu.memory_space<hbm>>) dst(%dma_wait3A_151 : memref<31312xi32, #tpu.memory_space<vmem>>)
        tpu.yield
      }) : () -> ()
    } else {
    }
    %eq3A_19 = arith.constant 0 : i32
    %eq3A_20 = arith.cmpi eq, %arg1, %eq3A_19 : i32
    %convert_element_type3A_21 = arith.extui %eq3A_20 : i1 to i32
    %cond3A_22 = arith.constant 0 : i32
    %cond3A_23 = arith.cmpi ne, %convert_element_type3A_21, %cond3A_22 : i32
    scf.if %cond3A_23 {
      %dma_wait3A_141 = arith.constant 0 : i32
      %dma_wait3A_142 = arith.constant 0 : i32
      %dma_wait3A_143 = tpu.memref_slice %arg4[%dma_wait3A_141, %dma_wait3A_142] : memref<800x128xi32, #tpu.memory_space<hbm>> -> memref<160x128xi32, #tpu.memory_space<hbm>>
      tpu.wait_dma2 semaphore(%arg17 : memref<!tpu.dma_semaphore, #tpu.memory_space<semaphore_mem>>) src(%dma_wait3A_143 : memref<160x128xi32, #tpu.memory_space<hbm>>) dst(%arg11 : memref<160x128xi32, #tpu.memory_space<vmem_shared>>)
    } else {
    }
    %barrier3A = arith.constant 0 : index
    tpu.barrier barrier_id(%barrier3A)
    %eq3A_24 = arith.constant 0 : i32
    %eq3A_25 = arith.cmpi eq, %arg1, %eq3A_24 : i32
    %convert_element_type3A_26 = arith.extui %eq3A_25 : i1 to i32
    %cond3A_27 = arith.constant 0 : i32
    %cond3A_28 = arith.cmpi ne, %convert_element_type3A_26, %cond3A_27 : i32
    scf.if %cond3A_28 {
      %dma_start3A_141 = arith.constant 160 : i32
      %dma_start3A_142 = arith.constant 0 : i32
      %dma_start3A_143 = tpu.memref_slice %arg4[%dma_start3A_141, %dma_start3A_142] : memref<800x128xi32, #tpu.memory_space<hbm>> -> memref<160x128xi32, #tpu.memory_space<hbm>>
      tpu.enqueue_dma source(%dma_start3A_143 : memref<160x128xi32, #tpu.memory_space<hbm>>) target(%arg12 : memref<160x128xi32, #tpu.memory_space<vmem_shared>>) target_semaphore(%arg18 : memref<!tpu.dma_semaphore, #tpu.memory_space<semaphore_mem>>)
    } else {
    }
    tpu.enqueue_dma source(%arg11 : memref<160x128xi32, #tpu.memory_space<vmem_shared>>) target(%arg9 : memref<160x128xi32, #tpu.memory_space<vmem>>) target_semaphore(%arg15 : memref<!tpu.dma_semaphore, #tpu.memory_space<semaphore_mem>>)
    tpu.wait_dma2 semaphore(%arg15 : memref<!tpu.dma_semaphore, #tpu.memory_space<semaphore_mem>>) src(%arg11 : memref<160x128xi32, #tpu.memory_space<vmem_shared>>) dst(%arg9 : memref<160x128xi32, #tpu.memory_space<vmem>>)
    %eq3A_29 = arith.constant 0 : i32
    %eq3A_30 = arith.cmpi eq, %arg1, %eq3A_29 : i32
    %convert_element_type3A_31 = arith.extui %eq3A_30 : i1 to i32
    %cond3A_32 = arith.constant 0 : i32
    %cond3A_33 = arith.cmpi ne, %convert_element_type3A_31, %cond3A_32 : i32
    scf.if %cond3A_33 {
      %dma_wait3A_141 = arith.constant 160 : i32
      %dma_wait3A_142 = arith.constant 0 : i32
      %dma_wait3A_143 = tpu.memref_slice %arg4[%dma_wait3A_141, %dma_wait3A_142] : memref<800x128xi32, #tpu.memory_space<hbm>> -> memref<160x128xi32, #tpu.memory_space<hbm>>
      tpu.wait_dma2 semaphore(%arg18 : memref<!tpu.dma_semaphore, #tpu.memory_space<semaphore_mem>>) src(%dma_wait3A_143 : memref<160x128xi32, #tpu.memory_space<hbm>>) dst(%arg12 : memref<160x128xi32, #tpu.memory_space<vmem_shared>>)
    } else {
    }
    %barrier3A_34 = arith.constant 0 : index
    tpu.barrier barrier_id(%barrier3A_34)
    %eq3A_35 = arith.constant 0 : i32
    %eq3A_36 = arith.cmpi eq, %arg1, %eq3A_35 : i32
    %convert_element_type3A_37 = arith.extui %eq3A_36 : i1 to i32
    %cond3A_38 = arith.constant 0 : i32
    %cond3A_39 = arith.cmpi ne, %convert_element_type3A_37, %cond3A_38 : i32
    scf.if %cond3A_39 {
      %dma_start3A_141 = arith.constant 320 : i32
      %dma_start3A_142 = arith.constant 0 : i32
      %dma_start3A_143 = tpu.memref_slice %arg4[%dma_start3A_141, %dma_start3A_142] : memref<800x128xi32, #tpu.memory_space<hbm>> -> memref<160x128xi32, #tpu.memory_space<hbm>>
      tpu.enqueue_dma source(%dma_start3A_143 : memref<160x128xi32, #tpu.memory_space<hbm>>) target(%arg11 : memref<160x128xi32, #tpu.memory_space<vmem_shared>>) target_semaphore(%arg17 : memref<!tpu.dma_semaphore, #tpu.memory_space<semaphore_mem>>)
    } else {
    }
    tpu.enqueue_dma source(%arg12 : memref<160x128xi32, #tpu.memory_space<vmem_shared>>) target(%arg10 : memref<160x128xi32, #tpu.memory_space<vmem>>) target_semaphore(%arg16 : memref<!tpu.dma_semaphore, #tpu.memory_space<semaphore_mem>>)
    %dma_wait3A = arith.constant 0 : i32
    %dma_wait3A_40 = tpu.memref_slice %arg3[%dma_wait3A] : memref<102400xi32, #tpu.memory_space<hbm>> -> memref<20480xi32, #tpu.memory_space<hbm>>
    %dma_wait3A_41 = arith.constant 0 : i32
    %dma_wait3A_42 = tpu.memref_slice %arg3[%dma_wait3A_41] : memref<102400xi32, #tpu.memory_space<hbm>> -> memref<20480xi32, #tpu.memory_space<hbm>>
    tpu.wait_dma2 semaphore(%arg13 : memref<!tpu.dma_semaphore, #tpu.memory_space<semaphore_mem>>) src(%dma_wait3A_42 : memref<20480xi32, #tpu.memory_space<hbm>>) dst(%arg7 : memref<20480xi32, #tpu.memory_space<vmem>>)
    %dma_start3A_43 = arith.constant 20480 : i32
    %dma_start3A_44 = tpu.memref_slice %arg3[%dma_start3A_43] : memref<102400xi32, #tpu.memory_space<hbm>> -> memref<20480xi32, #tpu.memory_space<hbm>>
    %dma_start3A_45 = arith.constant 20480 : i32
    %dma_start3A_46 = tpu.memref_slice %arg3[%dma_start3A_45] : memref<102400xi32, #tpu.memory_space<hbm>> -> memref<20480xi32, #tpu.memory_space<hbm>>
    tpu.enqueue_dma source(%dma_start3A_46 : memref<20480xi32, #tpu.memory_space<hbm>>) target(%arg8 : memref<20480xi32, #tpu.memory_space<vmem>>) target_semaphore(%arg14 : memref<!tpu.dma_semaphore, #tpu.memory_space<semaphore_mem>>)
    %scan3A = arith.constant 0 : i32
    %scan3A_47 = arith.constant 0 : i32
    %scan3A_48 = arith.constant 160 : i32
    %scan3A_49 = arith.addi %scan3A_47, %scan3A_48 : i32
    %scan3A_50 = arith.constant 1 : i32
    scf.for %scan3A_141 = %scan3A_47 to %scan3A_49 step %scan3A_50  : i32 {
      %mul3A_142 = arith.constant 128 : i32
      %mul3A_143 = arith.muli %scan3A_141, %mul3A_142 : i32
      %add3A_144 = arith.constant 0 : i32
      %add3A_145 = arith.addi %mul3A_143, %add3A_144 : i32
      %multiple_of3A = tpu.assume_multiple %add3A_145, 16 : i32
      %get3A = arith.index_cast %multiple_of3A : i32 to index
      %get3A_146 = tpu.vector_load %arg7[%get3A] {strides = array<i32>} : memref<20480xi32, #tpu.memory_space<vmem>>, vector<16xi32>,
      %sub3A = arith.subi %get3A_146, %broadcast_in_dim3A : vector<16xi32>
      %bitcast3A = vector.bitcast %sub3A : vector<16xi32> to vector<16xi32>
      %min3A = arith.minui %bitcast3A, %broadcast_in_dim3A_5 : vector<16xi32>
      %bitcast3A_147 = vector.bitcast %min3A : vector<16xi32> to vector<16xi32>
      %get3A_148 = arith.index_cast %scan3A_141 : i32 to index
      %get3A_149 = arith.constant 0 : index
      %get3A_150 = tpu.vector_load %arg9[%get3A_148, %get3A_149] {strides = array<i32>} : memref<160x128xi32, #tpu.memory_space<vmem>>, vector<16xi32>,
      %mul3A_151 = arith.constant 128 : i32
      %mul3A_152 = arith.muli %scan3A_141, %mul3A_151 : i32
      %add3A_153 = arith.constant 16 : i32
      %add3A_154 = arith.addi %mul3A_152, %add3A_153 : i32
      %multiple_of3A_155 = tpu.assume_multiple %add3A_154, 16 : i32
      %get3A_156 = arith.index_cast %multiple_of3A_155 : i32 to index
      %get3A_157 = tpu.vector_load %arg7[%get3A_156] {strides = array<i32>} : memref<20480xi32, #tpu.memory_space<vmem>>, vector<16xi32>,
      %sub3A_158 = arith.subi %get3A_157, %broadcast_in_dim3A : vector<16xi32>
      %bitcast3A_159 = vector.bitcast %sub3A_158 : vector<16xi32> to vector<16xi32>
      %min3A_160 = arith.minui %bitcast3A_159, %broadcast_in_dim3A_5 : vector<16xi32>
      %bitcast3A_161 = vector.bitcast %min3A_160 : vector<16xi32> to vector<16xi32>
      %get3A_162 = arith.index_cast %scan3A_141 : i32 to index
      %get3A_163 = arith.constant 16 : index
      %get3A_164 = tpu.vector_load %arg9[%get3A_162, %get3A_163] {strides = array<i32>} : memref<160x128xi32, #tpu.memory_space<vmem>>, vector<16xi32>,
      %mul3A_165 = arith.constant 128 : i32
      %mul3A_166 = arith.muli %scan3A_141, %mul3A_165 : i32
      %add3A_167 = arith.constant 32 : i32
      %add3A_168 = arith.addi %mul3A_166, %add3A_167 : i32
      %multiple_of3A_169 = tpu.assume_multiple %add3A_168, 16 : i32
      %get3A_170 = arith.index_cast %multiple_of3A_169 : i32 to index
      %get3A_171 = tpu.vector_load %arg7[%get3A_170] {strides = array<i32>} : memref<20480xi32, #tpu.memory_space<vmem>>, vector<16xi32>,
      %sub3A_172 = arith.subi %get3A_171, %broadcast_in_dim3A : vector<16xi32>
      %bitcast3A_173 = vector.bitcast %sub3A_172 : vector<16xi32> to vector<16xi32>
      %min3A_174 = arith.minui %bitcast3A_173, %broadcast_in_dim3A_5 : vector<16xi32>
      %bitcast3A_175 = vector.bitcast %min3A_174 : vector<16xi32> to vector<16xi32>
      %get3A_176 = arith.index_cast %scan3A_141 : i32 to index
      %get3A_177 = arith.constant 32 : index
      %get3A_178 = tpu.vector_load %arg9[%get3A_176, %get3A_177] {strides = array<i32>} : memref<160x128xi32, #tpu.memory_space<vmem>>, vector<16xi32>,
      %mul3A_179 = arith.constant 128 : i32
      %mul3A_180 = arith.muli %scan3A_141, %mul3A_179 : i32
      %add3A_181 = arith.constant 48 : i32
      %add3A_182 = arith.addi %mul3A_180, %add3A_181 : i32
      %multiple_of3A_183 = tpu.assume_multiple %add3A_182, 16 : i32
      %get3A_184 = arith.index_cast %multiple_of3A_183 : i32 to index
      %get3A_185 = tpu.vector_load %arg7[%get3A_184] {strides = array<i32>} : memref<20480xi32, #tpu.memory_space<vmem>>, vector<16xi32>,
      %sub3A_186 = arith.subi %get3A_185, %broadcast_in_dim3A : vector<16xi32>
      %bitcast3A_187 = vector.bitcast %sub3A_186 : vector<16xi32> to vector<16xi32>
      %min3A_188 = arith.minui %bitcast3A_187, %broadcast_in_dim3A_5 : vector<16xi32>
      %bitcast3A_189 = vector.bitcast %min3A_188 : vector<16xi32> to vector<16xi32>
      %get3A_190 = arith.index_cast %scan3A_141 : i32 to index
      %get3A_191 = arith.constant 48 : index
      %get3A_192 = tpu.vector_load %arg9[%get3A_190, %get3A_191] {strides = array<i32>} : memref<160x128xi32, #tpu.memory_space<vmem>>, vector<16xi32>,
      %mul3A_193 = arith.constant 128 : i32
      %mul3A_194 = arith.muli %scan3A_141, %mul3A_193 : i32
      %add3A_195 = arith.constant 64 : i32
      %add3A_196 = arith.addi %mul3A_194, %add3A_195 : i32
      %multiple_of3A_197 = tpu.assume_multiple %add3A_196, 16 : i32
      %get3A_198 = arith.index_cast %multiple_of3A_197 : i32 to index
      %get3A_199 = tpu.vector_load %arg7[%get3A_198] {strides = array<i32>} : memref<20480xi32, #tpu.memory_space<vmem>>, vector<16xi32>,
      %sub3A_200 = arith.subi %get3A_199, %broadcast_in_dim3A : vector<16xi32>
      %bitcast3A_201 = vector.bitcast %sub3A_200 : vector<16xi32> to vector<16xi32>
      %min3A_202 = arith.minui %bitcast3A_201, %broadcast_in_dim3A_5 : vector<16xi32>
      %bitcast3A_203 = vector.bitcast %min3A_202 : vector<16xi32> to vector<16xi32>
      %get3A_204 = arith.index_cast %scan3A_141 : i32 to index
      %get3A_205 = arith.constant 64 : index
      %get3A_206 = tpu.vector_load %arg9[%get3A_204, %get3A_205] {strides = array<i32>} : memref<160x128xi32, #tpu.memory_space<vmem>>, vector<16xi32>,
      %mul3A_207 = arith.constant 128 : i32
      %mul3A_208 = arith.muli %scan3A_141, %mul3A_207 : i32
      %add3A_209 = arith.constant 80 : i32
      %add3A_210 = arith.addi %mul3A_208, %add3A_209 : i32
      %multiple_of3A_211 = tpu.assume_multiple %add3A_210, 16 : i32
      %get3A_212 = arith.index_cast %multiple_of3A_211 : i32 to index
      %get3A_213 = tpu.vector_load %arg7[%get3A_212] {strides = array<i32>} : memref<20480xi32, #tpu.memory_space<vmem>>, vector<16xi32>,
      %sub3A_214 = arith.subi %get3A_213, %broadcast_in_dim3A : vector<16xi32>
      %bitcast3A_215 = vector.bitcast %sub3A_214 : vector<16xi32> to vector<16xi32>
      %min3A_216 = arith.minui %bitcast3A_215, %broadcast_in_dim3A_5 : vector<16xi32>
      %bitcast3A_217 = vector.bitcast %min3A_216 : vector<16xi32> to vector<16xi32>
      %get3A_218 = arith.index_cast %scan3A_141 : i32 to index
      %get3A_219 = arith.constant 80 : index
      %get3A_220 = tpu.vector_load %arg9[%get3A_218, %get3A_219] {strides = array<i32>} : memref<160x128xi32, #tpu.memory_space<vmem>>, vector<16xi32>,
      %mul3A_221 = arith.constant 128 : i32
      %mul3A_222 = arith.muli %scan3A_141, %mul3A_221 : i32
      %add3A_223 = arith.constant 96 : i32
      %add3A_224 = arith.addi %mul3A_222, %add3A_223 : i32
      %multiple_of3A_225 = tpu.assume_multiple %add3A_224, 16 : i32
      %get3A_226 = arith.index_cast %multiple_of3A_225 : i32 to index
      %get3A_227 = tpu.vector_load %arg7[%get3A_226] {strides = array<i32>} : memref<20480xi32, #tpu.memory_space<vmem>>, vector<16xi32>,
      %sub3A_228 = arith.subi %get3A_227, %broadcast_in_dim3A : vector<16xi32>
      %bitcast3A_229 = vector.bitcast %sub3A_228 : vector<16xi32> to vector<16xi32>
      %min3A_230 = arith.minui %bitcast3A_229, %broadcast_in_dim3A_5 : vector<16xi32>
      %bitcast3A_231 = vector.bitcast %min3A_230 : vector<16xi32> to vector<16xi32>
      %get3A_232 = arith.index_cast %scan3A_141 : i32 to index
      %get3A_233 = arith.constant 96 : index
      %get3A_234 = tpu.vector_load %arg9[%get3A_232, %get3A_233] {strides = array<i32>} : memref<160x128xi32, #tpu.memory_space<vmem>>, vector<16xi32>,
      %mul3A_235 = arith.constant 128 : i32
      %mul3A_236 = arith.muli %scan3A_141, %mul3A_235 : i32
      %add3A_237 = arith.constant 112 : i32
      %add3A_238 = arith.addi %mul3A_236, %add3A_237 : i32
      %multiple_of3A_239 = tpu.assume_multiple %add3A_238, 16 : i32
      %get3A_240 = arith.index_cast %multiple_of3A_239 : i32 to index
      %get3A_241 = tpu.vector_load %arg7[%get3A_240] {strides = array<i32>} : memref<20480xi32, #tpu.memory_space<vmem>>, vector<16xi32>,
      %sub3A_242 = arith.subi %get3A_241, %broadcast_in_dim3A : vector<16xi32>
      %bitcast3A_243 = vector.bitcast %sub3A_242 : vector<16xi32> to vector<16xi32>
      %min3A_244 = arith.minui %bitcast3A_243, %broadcast_in_dim3A_5 : vector<16xi32>
      %bitcast3A_245 = vector.bitcast %min3A_244 : vector<16xi32> to vector<16xi32>
      %get3A_246 = arith.index_cast %scan3A_141 : i32 to index
      %get3A_247 = arith.constant 112 : index
      %get3A_248 = tpu.vector_load %arg9[%get3A_246, %get3A_247] {strides = array<i32>} : memref<160x128xi32, #tpu.memory_space<vmem>>, vector<16xi32>,
      tpu.vector_store_idx %arg6[%bitcast3A_147], %get3A_150 : memref<31320xi32, #tpu.memory_space<vmem>>[vector<16xi32>], vector<16xi32>,
      tpu.vector_store_idx %arg6[%bitcast3A_161], %get3A_164 : memref<31320xi32, #tpu.memory_space<vmem>>[vector<16xi32>], vector<16xi32>,
      tpu.vector_store_idx %arg6[%bitcast3A_175], %get3A_178 : memref<31320xi32, #tpu.memory_space<vmem>>[vector<16xi32>], vector<16xi32>,
      tpu.vector_store_idx %arg6[%bitcast3A_189], %get3A_192 : memref<31320xi32, #tpu.memory_space<vmem>>[vector<16xi32>], vector<16xi32>,
      tpu.vector_store_idx %arg6[%bitcast3A_203], %get3A_206 : memref<31320xi32, #tpu.memory_space<vmem>>[vector<16xi32>], vector<16xi32>,
      tpu.vector_store_idx %arg6[%bitcast3A_217], %get3A_220 : memref<31320xi32, #tpu.memory_space<vmem>>[vector<16xi32>], vector<16xi32>,
      tpu.vector_store_idx %arg6[%bitcast3A_231], %get3A_234 : memref<31320xi32, #tpu.memory_space<vmem>>[vector<16xi32>], vector<16xi32>,
      tpu.vector_store_idx %arg6[%bitcast3A_245], %get3A_248 : memref<31320xi32, #tpu.memory_space<vmem>>[vector<16xi32>], vector<16xi32>,
    }
    %scan3A_51 = arith.constant 160 : i32
    tpu.wait_dma2 semaphore(%arg16 : memref<!tpu.dma_semaphore, #tpu.memory_space<semaphore_mem>>) src(%arg12 : memref<160x128xi32, #tpu.memory_space<vmem_shared>>) dst(%arg10 : memref<160x128xi32, #tpu.memory_space<vmem>>)
    %eq3A_52 = arith.constant 0 : i32
    %eq3A_53 = arith.cmpi eq, %arg1, %eq3A_52 : i32
    %convert_element_type3A_54 = arith.extui %eq3A_53 : i1 to i32
    %cond3A_55 = arith.constant 0 : i32
    %cond3A_56 = arith.cmpi ne, %convert_element_type3A_54, %cond3A_55 : i32
    scf.if %cond3A_56 {
      %dma_wait3A_141 = arith.constant 320 : i32
      %dma_wait3A_142 = arith.constant 0 : i32
      %dma_wait3A_143 = tpu.memref_slice %arg4[%dma_wait3A_141, %dma_wait3A_142] : memref<800x128xi32, #tpu.memory_space<hbm>> -> memref<160x128xi32, #tpu.memory_space<hbm>>
      tpu.wait_dma2 semaphore(%arg17 : memref<!tpu.dma_semaphore, #tpu.memory_space<semaphore_mem>>) src(%dma_wait3A_143 : memref<160x128xi32, #tpu.memory_space<hbm>>) dst(%arg11 : memref<160x128xi32, #tpu.memory_space<vmem_shared>>)
    } else {
    }
    %barrier3A_57 = arith.constant 0 : index
    tpu.barrier barrier_id(%barrier3A_57)
    %eq3A_58 = arith.constant 0 : i32
    %eq3A_59 = arith.cmpi eq, %arg1, %eq3A_58 : i32
    %convert_element_type3A_60 = arith.extui %eq3A_59 : i1 to i32
    %cond3A_61 = arith.constant 0 : i32
    %cond3A_62 = arith.cmpi ne, %convert_element_type3A_60, %cond3A_61 : i32
    scf.if %cond3A_62 {
      %dma_start3A_141 = arith.constant 480 : i32
      %dma_start3A_142 = arith.constant 0 : i32
      %dma_start3A_143 = tpu.memref_slice %arg4[%dma_start3A_141, %dma_start3A_142] : memref<800x128xi32, #tpu.memory_space<hbm>> -> memref<160x128xi32, #tpu.memory_space<hbm>>
      tpu.enqueue_dma source(%dma_start3A_143 : memref<160x128xi32, #tpu.memory_space<hbm>>) target(%arg12 : memref<160x128xi32, #tpu.memory_space<vmem_shared>>) target_semaphore(%arg18 : memref<!tpu.dma_semaphore, #tpu.memory_space<semaphore_mem>>)
    } else {
    }
    tpu.enqueue_dma source(%arg11 : memref<160x128xi32, #tpu.memory_space<vmem_shared>>) target(%arg9 : memref<160x128xi32, #tpu.memory_space<vmem>>) target_semaphore(%arg15 : memref<!tpu.dma_semaphore, #tpu.memory_space<semaphore_mem>>)
    %dma_wait3A_63 = arith.constant 20480 : i32
    %dma_wait3A_64 = tpu.memref_slice %arg3[%dma_wait3A_63] : memref<102400xi32, #tpu.memory_space<hbm>> -> memref<20480xi32, #tpu.memory_space<hbm>>
    %dma_wait3A_65 = arith.constant 20480 : i32
    %dma_wait3A_66 = tpu.memref_slice %arg3[%dma_wait3A_65] : memref<102400xi32, #tpu.memory_space<hbm>> -> memref<20480xi32, #tpu.memory_space<hbm>>
    tpu.wait_dma2 semaphore(%arg14 : memref<!tpu.dma_semaphore, #tpu.memory_space<semaphore_mem>>) src(%dma_wait3A_66 : memref<20480xi32, #tpu.memory_space<hbm>>) dst(%arg8 : memref<20480xi32, #tpu.memory_space<vmem>>)
    %dma_start3A_67 = arith.constant 40960 : i32
    %dma_start3A_68 = tpu.memref_slice %arg3[%dma_start3A_67] : memref<102400xi32, #tpu.memory_space<hbm>> -> memref<20480xi32, #tpu.memory_space<hbm>>
    %dma_start3A_69 = arith.constant 40960 : i32
    %dma_start3A_70 = tpu.memref_slice %arg3[%dma_start3A_69] : memref<102400xi32, #tpu.memory_space<hbm>> -> memref<20480xi32, #tpu.memory_space<hbm>>
    tpu.enqueue_dma source(%dma_start3A_70 : memref<20480xi32, #tpu.memory_space<hbm>>) target(%arg7 : memref<20480xi32, #tpu.memory_space<vmem>>) target_semaphore(%arg13 : memref<!tpu.dma_semaphore, #tpu.memory_space<semaphore_mem>>)
    %scan3A_71 = arith.constant 0 : i32
    %scan3A_72 = arith.constant 0 : i32
    %scan3A_73 = arith.constant 160 : i32
    %scan3A_74 = arith.addi %scan3A_72, %scan3A_73 : i32
    %scan3A_75 = arith.constant 1 : i32
    scf.for %scan3A_141 = %scan3A_72 to %scan3A_74 step %scan3A_75  : i32 {
      %mul3A_142 = arith.constant 128 : i32
      %mul3A_143 = arith.muli %scan3A_141, %mul3A_142 : i32
      %add3A_144 = arith.constant 0 : i32
      %add3A_145 = arith.addi %mul3A_143, %add3A_144 : i32
      %multiple_of3A = tpu.assume_multiple %add3A_145, 16 : i32
      %get3A = arith.index_cast %multiple_of3A : i32 to index
      %get3A_146 = tpu.vector_load %arg8[%get3A] {strides = array<i32>} : memref<20480xi32, #tpu.memory_space<vmem>>, vector<16xi32>,
      %sub3A = arith.subi %get3A_146, %broadcast_in_dim3A : vector<16xi32>
      %bitcast3A = vector.bitcast %sub3A : vector<16xi32> to vector<16xi32>
      %min3A = arith.minui %bitcast3A, %broadcast_in_dim3A_5 : vector<16xi32>
      %bitcast3A_147 = vector.bitcast %min3A : vector<16xi32> to vector<16xi32>
      %get3A_148 = arith.index_cast %scan3A_141 : i32 to index
      %get3A_149 = arith.constant 0 : index
      %get3A_150 = tpu.vector_load %arg10[%get3A_148, %get3A_149] {strides = array<i32>} : memref<160x128xi32, #tpu.memory_space<vmem>>, vector<16xi32>,
      %mul3A_151 = arith.constant 128 : i32
      %mul3A_152 = arith.muli %scan3A_141, %mul3A_151 : i32
      %add3A_153 = arith.constant 16 : i32
      %add3A_154 = arith.addi %mul3A_152, %add3A_153 : i32
      %multiple_of3A_155 = tpu.assume_multiple %add3A_154, 16 : i32
      %get3A_156 = arith.index_cast %multiple_of3A_155 : i32 to index
      %get3A_157 = tpu.vector_load %arg8[%get3A_156] {strides = array<i32>} : memref<20480xi32, #tpu.memory_space<vmem>>, vector<16xi32>,
      %sub3A_158 = arith.subi %get3A_157, %broadcast_in_dim3A : vector<16xi32>
      %bitcast3A_159 = vector.bitcast %sub3A_158 : vector<16xi32> to vector<16xi32>
      %min3A_160 = arith.minui %bitcast3A_159, %broadcast_in_dim3A_5 : vector<16xi32>
      %bitcast3A_161 = vector.bitcast %min3A_160 : vector<16xi32> to vector<16xi32>
      %get3A_162 = arith.index_cast %scan3A_141 : i32 to index
      %get3A_163 = arith.constant 16 : index
      %get3A_164 = tpu.vector_load %arg10[%get3A_162, %get3A_163] {strides = array<i32>} : memref<160x128xi32, #tpu.memory_space<vmem>>, vector<16xi32>,
      %mul3A_165 = arith.constant 128 : i32
      %mul3A_166 = arith.muli %scan3A_141, %mul3A_165 : i32
      %add3A_167 = arith.constant 32 : i32
      %add3A_168 = arith.addi %mul3A_166, %add3A_167 : i32
      %multiple_of3A_169 = tpu.assume_multiple %add3A_168, 16 : i32
      %get3A_170 = arith.index_cast %multiple_of3A_169 : i32 to index
      %get3A_171 = tpu.vector_load %arg8[%get3A_170] {strides = array<i32>} : memref<20480xi32, #tpu.memory_space<vmem>>, vector<16xi32>,
      %sub3A_172 = arith.subi %get3A_171, %broadcast_in_dim3A : vector<16xi32>
      %bitcast3A_173 = vector.bitcast %sub3A_172 : vector<16xi32> to vector<16xi32>
      %min3A_174 = arith.minui %bitcast3A_173, %broadcast_in_dim3A_5 : vector<16xi32>
      %bitcast3A_175 = vector.bitcast %min3A_174 : vector<16xi32> to vector<16xi32>
      %get3A_176 = arith.index_cast %scan3A_141 : i32 to index
      %get3A_177 = arith.constant 32 : index
      %get3A_178 = tpu.vector_load %arg10[%get3A_176, %get3A_177] {strides = array<i32>} : memref<160x128xi32, #tpu.memory_space<vmem>>, vector<16xi32>,
      %mul3A_179 = arith.constant 128 : i32
      %mul3A_180 = arith.muli %scan3A_141, %mul3A_179 : i32
      %add3A_181 = arith.constant 48 : i32
      %add3A_182 = arith.addi %mul3A_180, %add3A_181 : i32
      %multiple_of3A_183 = tpu.assume_multiple %add3A_182, 16 : i32
      %get3A_184 = arith.index_cast %multiple_of3A_183 : i32 to index
      %get3A_185 = tpu.vector_load %arg8[%get3A_184] {strides = array<i32>} : memref<20480xi32, #tpu.memory_space<vmem>>, vector<16xi32>,
      %sub3A_186 = arith.subi %get3A_185, %broadcast_in_dim3A : vector<16xi32>
      %bitcast3A_187 = vector.bitcast %sub3A_186 : vector<16xi32> to vector<16xi32>
      %min3A_188 = arith.minui %bitcast3A_187, %broadcast_in_dim3A_5 : vector<16xi32>
      %bitcast3A_189 = vector.bitcast %min3A_188 : vector<16xi32> to vector<16xi32>
      %get3A_190 = arith.index_cast %scan3A_141 : i32 to index
      %get3A_191 = arith.constant 48 : index
      %get3A_192 = tpu.vector_load %arg10[%get3A_190, %get3A_191] {strides = array<i32>} : memref<160x128xi32, #tpu.memory_space<vmem>>, vector<16xi32>,
      %mul3A_193 = arith.constant 128 : i32
      %mul3A_194 = arith.muli %scan3A_141, %mul3A_193 : i32
      %add3A_195 = arith.constant 64 : i32
      %add3A_196 = arith.addi %mul3A_194, %add3A_195 : i32
      %multiple_of3A_197 = tpu.assume_multiple %add3A_196, 16 : i32
      %get3A_198 = arith.index_cast %multiple_of3A_197 : i32 to index
      %get3A_199 = tpu.vector_load %arg8[%get3A_198] {strides = array<i32>} : memref<20480xi32, #tpu.memory_space<vmem>>, vector<16xi32>,
      %sub3A_200 = arith.subi %get3A_199, %broadcast_in_dim3A : vector<16xi32>
      %bitcast3A_201 = vector.bitcast %sub3A_200 : vector<16xi32> to vector<16xi32>
      %min3A_202 = arith.minui %bitcast3A_201, %broadcast_in_dim3A_5 : vector<16xi32>
      %bitcast3A_203 = vector.bitcast %min3A_202 : vector<16xi32> to vector<16xi32>
      %get3A_204 = arith.index_cast %scan3A_141 : i32 to index
      %get3A_205 = arith.constant 64 : index
      %get3A_206 = tpu.vector_load %arg10[%get3A_204, %get3A_205] {strides = array<i32>} : memref<160x128xi32, #tpu.memory_space<vmem>>, vector<16xi32>,
      %mul3A_207 = arith.constant 128 : i32
      %mul3A_208 = arith.muli %scan3A_141, %mul3A_207 : i32
      %add3A_209 = arith.constant 80 : i32
      %add3A_210 = arith.addi %mul3A_208, %add3A_209 : i32
      %multiple_of3A_211 = tpu.assume_multiple %add3A_210, 16 : i32
      %get3A_212 = arith.index_cast %multiple_of3A_211 : i32 to index
      %get3A_213 = tpu.vector_load %arg8[%get3A_212] {strides = array<i32>} : memref<20480xi32, #tpu.memory_space<vmem>>, vector<16xi32>,
      %sub3A_214 = arith.subi %get3A_213, %broadcast_in_dim3A : vector<16xi32>
      %bitcast3A_215 = vector.bitcast %sub3A_214 : vector<16xi32> to vector<16xi32>
      %min3A_216 = arith.minui %bitcast3A_215, %broadcast_in_dim3A_5 : vector<16xi32>
      %bitcast3A_217 = vector.bitcast %min3A_216 : vector<16xi32> to vector<16xi32>
      %get3A_218 = arith.index_cast %scan3A_141 : i32 to index
      %get3A_219 = arith.constant 80 : index
      %get3A_220 = tpu.vector_load %arg10[%get3A_218, %get3A_219] {strides = array<i32>} : memref<160x128xi32, #tpu.memory_space<vmem>>, vector<16xi32>,
      %mul3A_221 = arith.constant 128 : i32
      %mul3A_222 = arith.muli %scan3A_141, %mul3A_221 : i32
      %add3A_223 = arith.constant 96 : i32
      %add3A_224 = arith.addi %mul3A_222, %add3A_223 : i32
      %multiple_of3A_225 = tpu.assume_multiple %add3A_224, 16 : i32
      %get3A_226 = arith.index_cast %multiple_of3A_225 : i32 to index
      %get3A_227 = tpu.vector_load %arg8[%get3A_226] {strides = array<i32>} : memref<20480xi32, #tpu.memory_space<vmem>>, vector<16xi32>,
      %sub3A_228 = arith.subi %get3A_227, %broadcast_in_dim3A : vector<16xi32>
      %bitcast3A_229 = vector.bitcast %sub3A_228 : vector<16xi32> to vector<16xi32>
      %min3A_230 = arith.minui %bitcast3A_229, %broadcast_in_dim3A_5 : vector<16xi32>
      %bitcast3A_231 = vector.bitcast %min3A_230 : vector<16xi32> to vector<16xi32>
      %get3A_232 = arith.index_cast %scan3A_141 : i32 to index
      %get3A_233 = arith.constant 96 : index
      %get3A_234 = tpu.vector_load %arg10[%get3A_232, %get3A_233] {strides = array<i32>} : memref<160x128xi32, #tpu.memory_space<vmem>>, vector<16xi32>,
      %mul3A_235 = arith.constant 128 : i32
      %mul3A_236 = arith.muli %scan3A_141, %mul3A_235 : i32
      %add3A_237 = arith.constant 112 : i32
      %add3A_238 = arith.addi %mul3A_236, %add3A_237 : i32
      %multiple_of3A_239 = tpu.assume_multiple %add3A_238, 16 : i32
      %get3A_240 = arith.index_cast %multiple_of3A_239 : i32 to index
      %get3A_241 = tpu.vector_load %arg8[%get3A_240] {strides = array<i32>} : memref<20480xi32, #tpu.memory_space<vmem>>, vector<16xi32>,
      %sub3A_242 = arith.subi %get3A_241, %broadcast_in_dim3A : vector<16xi32>
      %bitcast3A_243 = vector.bitcast %sub3A_242 : vector<16xi32> to vector<16xi32>
      %min3A_244 = arith.minui %bitcast3A_243, %broadcast_in_dim3A_5 : vector<16xi32>
      %bitcast3A_245 = vector.bitcast %min3A_244 : vector<16xi32> to vector<16xi32>
      %get3A_246 = arith.index_cast %scan3A_141 : i32 to index
      %get3A_247 = arith.constant 112 : index
      %get3A_248 = tpu.vector_load %arg10[%get3A_246, %get3A_247] {strides = array<i32>} : memref<160x128xi32, #tpu.memory_space<vmem>>, vector<16xi32>,
      tpu.vector_store_idx %arg6[%bitcast3A_147], %get3A_150 : memref<31320xi32, #tpu.memory_space<vmem>>[vector<16xi32>], vector<16xi32>,
      tpu.vector_store_idx %arg6[%bitcast3A_161], %get3A_164 : memref<31320xi32, #tpu.memory_space<vmem>>[vector<16xi32>], vector<16xi32>,
      tpu.vector_store_idx %arg6[%bitcast3A_175], %get3A_178 : memref<31320xi32, #tpu.memory_space<vmem>>[vector<16xi32>], vector<16xi32>,
      tpu.vector_store_idx %arg6[%bitcast3A_189], %get3A_192 : memref<31320xi32, #tpu.memory_space<vmem>>[vector<16xi32>], vector<16xi32>,
      tpu.vector_store_idx %arg6[%bitcast3A_203], %get3A_206 : memref<31320xi32, #tpu.memory_space<vmem>>[vector<16xi32>], vector<16xi32>,
      tpu.vector_store_idx %arg6[%bitcast3A_217], %get3A_220 : memref<31320xi32, #tpu.memory_space<vmem>>[vector<16xi32>], vector<16xi32>,
      tpu.vector_store_idx %arg6[%bitcast3A_231], %get3A_234 : memref<31320xi32, #tpu.memory_space<vmem>>[vector<16xi32>], vector<16xi32>,
      tpu.vector_store_idx %arg6[%bitcast3A_245], %get3A_248 : memref<31320xi32, #tpu.memory_space<vmem>>[vector<16xi32>], vector<16xi32>,
    }
    %scan3A_76 = arith.constant 160 : i32
    tpu.wait_dma2 semaphore(%arg15 : memref<!tpu.dma_semaphore, #tpu.memory_space<semaphore_mem>>) src(%arg11 : memref<160x128xi32, #tpu.memory_space<vmem_shared>>) dst(%arg9 : memref<160x128xi32, #tpu.memory_space<vmem>>)
    %eq3A_77 = arith.constant 0 : i32
    %eq3A_78 = arith.cmpi eq, %arg1, %eq3A_77 : i32
    %convert_element_type3A_79 = arith.extui %eq3A_78 : i1 to i32
    %cond3A_80 = arith.constant 0 : i32
    %cond3A_81 = arith.cmpi ne, %convert_element_type3A_79, %cond3A_80 : i32
    scf.if %cond3A_81 {
      %dma_wait3A_141 = arith.constant 480 : i32
      %dma_wait3A_142 = arith.constant 0 : i32
      %dma_wait3A_143 = tpu.memref_slice %arg4[%dma_wait3A_141, %dma_wait3A_142] : memref<800x128xi32, #tpu.memory_space<hbm>> -> memref<160x128xi32, #tpu.memory_space<hbm>>
      tpu.wait_dma2 semaphore(%arg18 : memref<!tpu.dma_semaphore, #tpu.memory_space<semaphore_mem>>) src(%dma_wait3A_143 : memref<160x128xi32, #tpu.memory_space<hbm>>) dst(%arg12 : memref<160x128xi32, #tpu.memory_space<vmem_shared>>)
    } else {
    }
    %barrier3A_82 = arith.constant 0 : index
    tpu.barrier barrier_id(%barrier3A_82)
    %eq3A_83 = arith.constant 0 : i32
    %eq3A_84 = arith.cmpi eq, %arg1, %eq3A_83 : i32
    %convert_element_type3A_85 = arith.extui %eq3A_84 : i1 to i32
    %cond3A_86 = arith.constant 0 : i32
    %cond3A_87 = arith.cmpi ne, %convert_element_type3A_85, %cond3A_86 : i32
    scf.if %cond3A_87 {
      %dma_start3A_141 = arith.constant 640 : i32
      %dma_start3A_142 = arith.constant 0 : i32
      %dma_start3A_143 = tpu.memref_slice %arg4[%dma_start3A_141, %dma_start3A_142] : memref<800x128xi32, #tpu.memory_space<hbm>> -> memref<160x128xi32, #tpu.memory_space<hbm>>
      tpu.enqueue_dma source(%dma_start3A_143 : memref<160x128xi32, #tpu.memory_space<hbm>>) target(%arg11 : memref<160x128xi32, #tpu.memory_space<vmem_shared>>) target_semaphore(%arg17 : memref<!tpu.dma_semaphore, #tpu.memory_space<semaphore_mem>>)
    } else {
    }
    tpu.enqueue_dma source(%arg12 : memref<160x128xi32, #tpu.memory_space<vmem_shared>>) target(%arg10 : memref<160x128xi32, #tpu.memory_space<vmem>>) target_semaphore(%arg16 : memref<!tpu.dma_semaphore, #tpu.memory_space<semaphore_mem>>)
    %dma_wait3A_88 = arith.constant 40960 : i32
    %dma_wait3A_89 = tpu.memref_slice %arg3[%dma_wait3A_88] : memref<102400xi32, #tpu.memory_space<hbm>> -> memref<20480xi32, #tpu.memory_space<hbm>>
    %dma_wait3A_90 = arith.constant 40960 : i32
    %dma_wait3A_91 = tpu.memref_slice %arg3[%dma_wait3A_90] : memref<102400xi32, #tpu.memory_space<hbm>> -> memref<20480xi32, #tpu.memory_space<hbm>>
    tpu.wait_dma2 semaphore(%arg13 : memref<!tpu.dma_semaphore, #tpu.memory_space<semaphore_mem>>) src(%dma_wait3A_91 : memref<20480xi32, #tpu.memory_space<hbm>>) dst(%arg7 : memref<20480xi32, #tpu.memory_space<vmem>>)
    %dma_start3A_92 = arith.constant 61440 : i32
    %dma_start3A_93 = tpu.memref_slice %arg3[%dma_start3A_92] : memref<102400xi32, #tpu.memory_space<hbm>> -> memref<20480xi32, #tpu.memory_space<hbm>>
    %dma_start3A_94 = arith.constant 61440 : i32
    %dma_start3A_95 = tpu.memref_slice %arg3[%dma_start3A_94] : memref<102400xi32, #tpu.memory_space<hbm>> -> memref<20480xi32, #tpu.memory_space<hbm>>
    tpu.enqueue_dma source(%dma_start3A_95 : memref<20480xi32, #tpu.memory_space<hbm>>) target(%arg8 : memref<20480xi32, #tpu.memory_space<vmem>>) target_semaphore(%arg14 : memref<!tpu.dma_semaphore, #tpu.memory_space<semaphore_mem>>)
    %scan3A_96 = arith.constant 0 : i32
    %scan3A_97 = arith.constant 0 : i32
    %scan3A_98 = arith.constant 160 : i32
    %scan3A_99 = arith.addi %scan3A_97, %scan3A_98 : i32
    %scan3A_100 = arith.constant 1 : i32
    scf.for %scan3A_141 = %scan3A_97 to %scan3A_99 step %scan3A_100  : i32 {
      %mul3A_142 = arith.constant 128 : i32
      %mul3A_143 = arith.muli %scan3A_141, %mul3A_142 : i32
      %add3A_144 = arith.constant 0 : i32
      %add3A_145 = arith.addi %mul3A_143, %add3A_144 : i32
      %multiple_of3A = tpu.assume_multiple %add3A_145, 16 : i32
      %get3A = arith.index_cast %multiple_of3A : i32 to index
      %get3A_146 = tpu.vector_load %arg7[%get3A] {strides = array<i32>} : memref<20480xi32, #tpu.memory_space<vmem>>, vector<16xi32>,
      %sub3A = arith.subi %get3A_146, %broadcast_in_dim3A : vector<16xi32>
      %bitcast3A = vector.bitcast %sub3A : vector<16xi32> to vector<16xi32>
      %min3A = arith.minui %bitcast3A, %broadcast_in_dim3A_5 : vector<16xi32>
      %bitcast3A_147 = vector.bitcast %min3A : vector<16xi32> to vector<16xi32>
      %get3A_148 = arith.index_cast %scan3A_141 : i32 to index
      %get3A_149 = arith.constant 0 : index
      %get3A_150 = tpu.vector_load %arg9[%get3A_148, %get3A_149] {strides = array<i32>} : memref<160x128xi32, #tpu.memory_space<vmem>>, vector<16xi32>,
      %mul3A_151 = arith.constant 128 : i32
      %mul3A_152 = arith.muli %scan3A_141, %mul3A_151 : i32
      %add3A_153 = arith.constant 16 : i32
      %add3A_154 = arith.addi %mul3A_152, %add3A_153 : i32
      %multiple_of3A_155 = tpu.assume_multiple %add3A_154, 16 : i32
      %get3A_156 = arith.index_cast %multiple_of3A_155 : i32 to index
      %get3A_157 = tpu.vector_load %arg7[%get3A_156] {strides = array<i32>} : memref<20480xi32, #tpu.memory_space<vmem>>, vector<16xi32>,
      %sub3A_158 = arith.subi %get3A_157, %broadcast_in_dim3A : vector<16xi32>
      %bitcast3A_159 = vector.bitcast %sub3A_158 : vector<16xi32> to vector<16xi32>
      %min3A_160 = arith.minui %bitcast3A_159, %broadcast_in_dim3A_5 : vector<16xi32>
      %bitcast3A_161 = vector.bitcast %min3A_160 : vector<16xi32> to vector<16xi32>
      %get3A_162 = arith.index_cast %scan3A_141 : i32 to index
      %get3A_163 = arith.constant 16 : index
      %get3A_164 = tpu.vector_load %arg9[%get3A_162, %get3A_163] {strides = array<i32>} : memref<160x128xi32, #tpu.memory_space<vmem>>, vector<16xi32>,
      %mul3A_165 = arith.constant 128 : i32
      %mul3A_166 = arith.muli %scan3A_141, %mul3A_165 : i32
      %add3A_167 = arith.constant 32 : i32
      %add3A_168 = arith.addi %mul3A_166, %add3A_167 : i32
      %multiple_of3A_169 = tpu.assume_multiple %add3A_168, 16 : i32
      %get3A_170 = arith.index_cast %multiple_of3A_169 : i32 to index
      %get3A_171 = tpu.vector_load %arg7[%get3A_170] {strides = array<i32>} : memref<20480xi32, #tpu.memory_space<vmem>>, vector<16xi32>,
      %sub3A_172 = arith.subi %get3A_171, %broadcast_in_dim3A : vector<16xi32>
      %bitcast3A_173 = vector.bitcast %sub3A_172 : vector<16xi32> to vector<16xi32>
      %min3A_174 = arith.minui %bitcast3A_173, %broadcast_in_dim3A_5 : vector<16xi32>
      %bitcast3A_175 = vector.bitcast %min3A_174 : vector<16xi32> to vector<16xi32>
      %get3A_176 = arith.index_cast %scan3A_141 : i32 to index
      %get3A_177 = arith.constant 32 : index
      %get3A_178 = tpu.vector_load %arg9[%get3A_176, %get3A_177] {strides = array<i32>} : memref<160x128xi32, #tpu.memory_space<vmem>>, vector<16xi32>,
      %mul3A_179 = arith.constant 128 : i32
      %mul3A_180 = arith.muli %scan3A_141, %mul3A_179 : i32
      %add3A_181 = arith.constant 48 : i32
      %add3A_182 = arith.addi %mul3A_180, %add3A_181 : i32
      %multiple_of3A_183 = tpu.assume_multiple %add3A_182, 16 : i32
      %get3A_184 = arith.index_cast %multiple_of3A_183 : i32 to index
      %get3A_185 = tpu.vector_load %arg7[%get3A_184] {strides = array<i32>} : memref<20480xi32, #tpu.memory_space<vmem>>, vector<16xi32>,
      %sub3A_186 = arith.subi %get3A_185, %broadcast_in_dim3A : vector<16xi32>
      %bitcast3A_187 = vector.bitcast %sub3A_186 : vector<16xi32> to vector<16xi32>
      %min3A_188 = arith.minui %bitcast3A_187, %broadcast_in_dim3A_5 : vector<16xi32>
      %bitcast3A_189 = vector.bitcast %min3A_188 : vector<16xi32> to vector<16xi32>
      %get3A_190 = arith.index_cast %scan3A_141 : i32 to index
      %get3A_191 = arith.constant 48 : index
      %get3A_192 = tpu.vector_load %arg9[%get3A_190, %get3A_191] {strides = array<i32>} : memref<160x128xi32, #tpu.memory_space<vmem>>, vector<16xi32>,
      %mul3A_193 = arith.constant 128 : i32
      %mul3A_194 = arith.muli %scan3A_141, %mul3A_193 : i32
      %add3A_195 = arith.constant 64 : i32
      %add3A_196 = arith.addi %mul3A_194, %add3A_195 : i32
      %multiple_of3A_197 = tpu.assume_multiple %add3A_196, 16 : i32
      %get3A_198 = arith.index_cast %multiple_of3A_197 : i32 to index
      %get3A_199 = tpu.vector_load %arg7[%get3A_198] {strides = array<i32>} : memref<20480xi32, #tpu.memory_space<vmem>>, vector<16xi32>,
      %sub3A_200 = arith.subi %get3A_199, %broadcast_in_dim3A : vector<16xi32>
      %bitcast3A_201 = vector.bitcast %sub3A_200 : vector<16xi32> to vector<16xi32>
      %min3A_202 = arith.minui %bitcast3A_201, %broadcast_in_dim3A_5 : vector<16xi32>
      %bitcast3A_203 = vector.bitcast %min3A_202 : vector<16xi32> to vector<16xi32>
      %get3A_204 = arith.index_cast %scan3A_141 : i32 to index
      %get3A_205 = arith.constant 64 : index
      %get3A_206 = tpu.vector_load %arg9[%get3A_204, %get3A_205] {strides = array<i32>} : memref<160x128xi32, #tpu.memory_space<vmem>>, vector<16xi32>,
      %mul3A_207 = arith.constant 128 : i32
      %mul3A_208 = arith.muli %scan3A_141, %mul3A_207 : i32
      %add3A_209 = arith.constant 80 : i32
      %add3A_210 = arith.addi %mul3A_208, %add3A_209 : i32
      %multiple_of3A_211 = tpu.assume_multiple %add3A_210, 16 : i32
      %get3A_212 = arith.index_cast %multiple_of3A_211 : i32 to index
      %get3A_213 = tpu.vector_load %arg7[%get3A_212] {strides = array<i32>} : memref<20480xi32, #tpu.memory_space<vmem>>, vector<16xi32>,
      %sub3A_214 = arith.subi %get3A_213, %broadcast_in_dim3A : vector<16xi32>
      %bitcast3A_215 = vector.bitcast %sub3A_214 : vector<16xi32> to vector<16xi32>
      %min3A_216 = arith.minui %bitcast3A_215, %broadcast_in_dim3A_5 : vector<16xi32>
      %bitcast3A_217 = vector.bitcast %min3A_216 : vector<16xi32> to vector<16xi32>
      %get3A_218 = arith.index_cast %scan3A_141 : i32 to index
      %get3A_219 = arith.constant 80 : index
      %get3A_220 = tpu.vector_load %arg9[%get3A_218, %get3A_219] {strides = array<i32>} : memref<160x128xi32, #tpu.memory_space<vmem>>, vector<16xi32>,
      %mul3A_221 = arith.constant 128 : i32
      %mul3A_222 = arith.muli %scan3A_141, %mul3A_221 : i32
      %add3A_223 = arith.constant 96 : i32
      %add3A_224 = arith.addi %mul3A_222, %add3A_223 : i32
      %multiple_of3A_225 = tpu.assume_multiple %add3A_224, 16 : i32
      %get3A_226 = arith.index_cast %multiple_of3A_225 : i32 to index
      %get3A_227 = tpu.vector_load %arg7[%get3A_226] {strides = array<i32>} : memref<20480xi32, #tpu.memory_space<vmem>>, vector<16xi32>,
      %sub3A_228 = arith.subi %get3A_227, %broadcast_in_dim3A : vector<16xi32>
      %bitcast3A_229 = vector.bitcast %sub3A_228 : vector<16xi32> to vector<16xi32>
      %min3A_230 = arith.minui %bitcast3A_229, %broadcast_in_dim3A_5 : vector<16xi32>
      %bitcast3A_231 = vector.bitcast %min3A_230 : vector<16xi32> to vector<16xi32>
      %get3A_232 = arith.index_cast %scan3A_141 : i32 to index
      %get3A_233 = arith.constant 96 : index
      %get3A_234 = tpu.vector_load %arg9[%get3A_232, %get3A_233] {strides = array<i32>} : memref<160x128xi32, #tpu.memory_space<vmem>>, vector<16xi32>,
      %mul3A_235 = arith.constant 128 : i32
      %mul3A_236 = arith.muli %scan3A_141, %mul3A_235 : i32
      %add3A_237 = arith.constant 112 : i32
      %add3A_238 = arith.addi %mul3A_236, %add3A_237 : i32
      %multiple_of3A_239 = tpu.assume_multiple %add3A_238, 16 : i32
      %get3A_240 = arith.index_cast %multiple_of3A_239 : i32 to index
      %get3A_241 = tpu.vector_load %arg7[%get3A_240] {strides = array<i32>} : memref<20480xi32, #tpu.memory_space<vmem>>, vector<16xi32>,
      %sub3A_242 = arith.subi %get3A_241, %broadcast_in_dim3A : vector<16xi32>
      %bitcast3A_243 = vector.bitcast %sub3A_242 : vector<16xi32> to vector<16xi32>
      %min3A_244 = arith.minui %bitcast3A_243, %broadcast_in_dim3A_5 : vector<16xi32>
      %bitcast3A_245 = vector.bitcast %min3A_244 : vector<16xi32> to vector<16xi32>
      %get3A_246 = arith.index_cast %scan3A_141 : i32 to index
      %get3A_247 = arith.constant 112 : index
      %get3A_248 = tpu.vector_load %arg9[%get3A_246, %get3A_247] {strides = array<i32>} : memref<160x128xi32, #tpu.memory_space<vmem>>, vector<16xi32>,
      tpu.vector_store_idx %arg6[%bitcast3A_147], %get3A_150 : memref<31320xi32, #tpu.memory_space<vmem>>[vector<16xi32>], vector<16xi32>,
      tpu.vector_store_idx %arg6[%bitcast3A_161], %get3A_164 : memref<31320xi32, #tpu.memory_space<vmem>>[vector<16xi32>], vector<16xi32>,
      tpu.vector_store_idx %arg6[%bitcast3A_175], %get3A_178 : memref<31320xi32, #tpu.memory_space<vmem>>[vector<16xi32>], vector<16xi32>,
      tpu.vector_store_idx %arg6[%bitcast3A_189], %get3A_192 : memref<31320xi32, #tpu.memory_space<vmem>>[vector<16xi32>], vector<16xi32>,
      tpu.vector_store_idx %arg6[%bitcast3A_203], %get3A_206 : memref<31320xi32, #tpu.memory_space<vmem>>[vector<16xi32>], vector<16xi32>,
      tpu.vector_store_idx %arg6[%bitcast3A_217], %get3A_220 : memref<31320xi32, #tpu.memory_space<vmem>>[vector<16xi32>], vector<16xi32>,
      tpu.vector_store_idx %arg6[%bitcast3A_231], %get3A_234 : memref<31320xi32, #tpu.memory_space<vmem>>[vector<16xi32>], vector<16xi32>,
      tpu.vector_store_idx %arg6[%bitcast3A_245], %get3A_248 : memref<31320xi32, #tpu.memory_space<vmem>>[vector<16xi32>], vector<16xi32>,
    }
    %scan3A_101 = arith.constant 160 : i32
    tpu.wait_dma2 semaphore(%arg16 : memref<!tpu.dma_semaphore, #tpu.memory_space<semaphore_mem>>) src(%arg12 : memref<160x128xi32, #tpu.memory_space<vmem_shared>>) dst(%arg10 : memref<160x128xi32, #tpu.memory_space<vmem>>)
    %eq3A_102 = arith.constant 0 : i32
    %eq3A_103 = arith.cmpi eq, %arg1, %eq3A_102 : i32
    %convert_element_type3A_104 = arith.extui %eq3A_103 : i1 to i32
    %cond3A_105 = arith.constant 0 : i32
    %cond3A_106 = arith.cmpi ne, %convert_element_type3A_104, %cond3A_105 : i32
    scf.if %cond3A_106 {
      %dma_wait3A_141 = arith.constant 640 : i32
      %dma_wait3A_142 = arith.constant 0 : i32
      %dma_wait3A_143 = tpu.memref_slice %arg4[%dma_wait3A_141, %dma_wait3A_142] : memref<800x128xi32, #tpu.memory_space<hbm>> -> memref<160x128xi32, #tpu.memory_space<hbm>>
      tpu.wait_dma2 semaphore(%arg17 : memref<!tpu.dma_semaphore, #tpu.memory_space<semaphore_mem>>) src(%dma_wait3A_143 : memref<160x128xi32, #tpu.memory_space<hbm>>) dst(%arg11 : memref<160x128xi32, #tpu.memory_space<vmem_shared>>)
    } else {
    }
    %barrier3A_107 = arith.constant 0 : index
    tpu.barrier barrier_id(%barrier3A_107)
    tpu.enqueue_dma source(%arg11 : memref<160x128xi32, #tpu.memory_space<vmem_shared>>) target(%arg9 : memref<160x128xi32, #tpu.memory_space<vmem>>) target_semaphore(%arg15 : memref<!tpu.dma_semaphore, #tpu.memory_space<semaphore_mem>>)
    %dma_wait3A_108 = arith.constant 61440 : i32
    %dma_wait3A_109 = tpu.memref_slice %arg3[%dma_wait3A_108] : memref<102400xi32, #tpu.memory_space<hbm>> -> memref<20480xi32, #tpu.memory_space<hbm>>
    %dma_wait3A_110 = arith.constant 61440 : i32
    %dma_wait3A_111 = tpu.memref_slice %arg3[%dma_wait3A_110] : memref<102400xi32, #tpu.memory_space<hbm>> -> memref<20480xi32, #tpu.memory_space<hbm>>
    tpu.wait_dma2 semaphore(%arg14 : memref<!tpu.dma_semaphore, #tpu.memory_space<semaphore_mem>>) src(%dma_wait3A_111 : memref<20480xi32, #tpu.memory_space<hbm>>) dst(%arg8 : memref<20480xi32, #tpu.memory_space<vmem>>)
    %dma_start3A_112 = arith.constant 81920 : i32
    %dma_start3A_113 = tpu.memref_slice %arg3[%dma_start3A_112] : memref<102400xi32, #tpu.memory_space<hbm>> -> memref<20480xi32, #tpu.memory_space<hbm>>
    %dma_start3A_114 = arith.constant 81920 : i32
    %dma_start3A_115 = tpu.memref_slice %arg3[%dma_start3A_114] : memref<102400xi32, #tpu.memory_space<hbm>> -> memref<20480xi32, #tpu.memory_space<hbm>>
    tpu.enqueue_dma source(%dma_start3A_115 : memref<20480xi32, #tpu.memory_space<hbm>>) target(%arg7 : memref<20480xi32, #tpu.memory_space<vmem>>) target_semaphore(%arg13 : memref<!tpu.dma_semaphore, #tpu.memory_space<semaphore_mem>>)
    %scan3A_116 = arith.constant 0 : i32
    %scan3A_117 = arith.constant 0 : i32
    %scan3A_118 = arith.constant 160 : i32
    %scan3A_119 = arith.addi %scan3A_117, %scan3A_118 : i32
    %scan3A_120 = arith.constant 1 : i32
    scf.for %scan3A_141 = %scan3A_117 to %scan3A_119 step %scan3A_120  : i32 {
      %mul3A_142 = arith.constant 128 : i32
      %mul3A_143 = arith.muli %scan3A_141, %mul3A_142 : i32
      %add3A_144 = arith.constant 0 : i32
      %add3A_145 = arith.addi %mul3A_143, %add3A_144 : i32
      %multiple_of3A = tpu.assume_multiple %add3A_145, 16 : i32
      %get3A = arith.index_cast %multiple_of3A : i32 to index
      %get3A_146 = tpu.vector_load %arg8[%get3A] {strides = array<i32>} : memref<20480xi32, #tpu.memory_space<vmem>>, vector<16xi32>,
      %sub3A = arith.subi %get3A_146, %broadcast_in_dim3A : vector<16xi32>
      %bitcast3A = vector.bitcast %sub3A : vector<16xi32> to vector<16xi32>
      %min3A = arith.minui %bitcast3A, %broadcast_in_dim3A_5 : vector<16xi32>
      %bitcast3A_147 = vector.bitcast %min3A : vector<16xi32> to vector<16xi32>
      %get3A_148 = arith.index_cast %scan3A_141 : i32 to index
      %get3A_149 = arith.constant 0 : index
      %get3A_150 = tpu.vector_load %arg10[%get3A_148, %get3A_149] {strides = array<i32>} : memref<160x128xi32, #tpu.memory_space<vmem>>, vector<16xi32>,
      %mul3A_151 = arith.constant 128 : i32
      %mul3A_152 = arith.muli %scan3A_141, %mul3A_151 : i32
      %add3A_153 = arith.constant 16 : i32
      %add3A_154 = arith.addi %mul3A_152, %add3A_153 : i32
      %multiple_of3A_155 = tpu.assume_multiple %add3A_154, 16 : i32
      %get3A_156 = arith.index_cast %multiple_of3A_155 : i32 to index
      %get3A_157 = tpu.vector_load %arg8[%get3A_156] {strides = array<i32>} : memref<20480xi32, #tpu.memory_space<vmem>>, vector<16xi32>,
      %sub3A_158 = arith.subi %get3A_157, %broadcast_in_dim3A : vector<16xi32>
      %bitcast3A_159 = vector.bitcast %sub3A_158 : vector<16xi32> to vector<16xi32>
      %min3A_160 = arith.minui %bitcast3A_159, %broadcast_in_dim3A_5 : vector<16xi32>
      %bitcast3A_161 = vector.bitcast %min3A_160 : vector<16xi32> to vector<16xi32>
      %get3A_162 = arith.index_cast %scan3A_141 : i32 to index
      %get3A_163 = arith.constant 16 : index
      %get3A_164 = tpu.vector_load %arg10[%get3A_162, %get3A_163] {strides = array<i32>} : memref<160x128xi32, #tpu.memory_space<vmem>>, vector<16xi32>,
      %mul3A_165 = arith.constant 128 : i32
      %mul3A_166 = arith.muli %scan3A_141, %mul3A_165 : i32
      %add3A_167 = arith.constant 32 : i32
      %add3A_168 = arith.addi %mul3A_166, %add3A_167 : i32
      %multiple_of3A_169 = tpu.assume_multiple %add3A_168, 16 : i32
      %get3A_170 = arith.index_cast %multiple_of3A_169 : i32 to index
      %get3A_171 = tpu.vector_load %arg8[%get3A_170] {strides = array<i32>} : memref<20480xi32, #tpu.memory_space<vmem>>, vector<16xi32>,
      %sub3A_172 = arith.subi %get3A_171, %broadcast_in_dim3A : vector<16xi32>
      %bitcast3A_173 = vector.bitcast %sub3A_172 : vector<16xi32> to vector<16xi32>
      %min3A_174 = arith.minui %bitcast3A_173, %broadcast_in_dim3A_5 : vector<16xi32>
      %bitcast3A_175 = vector.bitcast %min3A_174 : vector<16xi32> to vector<16xi32>
      %get3A_176 = arith.index_cast %scan3A_141 : i32 to index
      %get3A_177 = arith.constant 32 : index
      %get3A_178 = tpu.vector_load %arg10[%get3A_176, %get3A_177] {strides = array<i32>} : memref<160x128xi32, #tpu.memory_space<vmem>>, vector<16xi32>,
      %mul3A_179 = arith.constant 128 : i32
      %mul3A_180 = arith.muli %scan3A_141, %mul3A_179 : i32
      %add3A_181 = arith.constant 48 : i32
      %add3A_182 = arith.addi %mul3A_180, %add3A_181 : i32
      %multiple_of3A_183 = tpu.assume_multiple %add3A_182, 16 : i32
      %get3A_184 = arith.index_cast %multiple_of3A_183 : i32 to index
      %get3A_185 = tpu.vector_load %arg8[%get3A_184] {strides = array<i32>} : memref<20480xi32, #tpu.memory_space<vmem>>, vector<16xi32>,
      %sub3A_186 = arith.subi %get3A_185, %broadcast_in_dim3A : vector<16xi32>
      %bitcast3A_187 = vector.bitcast %sub3A_186 : vector<16xi32> to vector<16xi32>
      %min3A_188 = arith.minui %bitcast3A_187, %broadcast_in_dim3A_5 : vector<16xi32>
      %bitcast3A_189 = vector.bitcast %min3A_188 : vector<16xi32> to vector<16xi32>
      %get3A_190 = arith.index_cast %scan3A_141 : i32 to index
      %get3A_191 = arith.constant 48 : index
      %get3A_192 = tpu.vector_load %arg10[%get3A_190, %get3A_191] {strides = array<i32>} : memref<160x128xi32, #tpu.memory_space<vmem>>, vector<16xi32>,
      %mul3A_193 = arith.constant 128 : i32
      %mul3A_194 = arith.muli %scan3A_141, %mul3A_193 : i32
      %add3A_195 = arith.constant 64 : i32
      %add3A_196 = arith.addi %mul3A_194, %add3A_195 : i32
      %multiple_of3A_197 = tpu.assume_multiple %add3A_196, 16 : i32
      %get3A_198 = arith.index_cast %multiple_of3A_197 : i32 to index
      %get3A_199 = tpu.vector_load %arg8[%get3A_198] {strides = array<i32>} : memref<20480xi32, #tpu.memory_space<vmem>>, vector<16xi32>,
      %sub3A_200 = arith.subi %get3A_199, %broadcast_in_dim3A : vector<16xi32>
      %bitcast3A_201 = vector.bitcast %sub3A_200 : vector<16xi32> to vector<16xi32>
      %min3A_202 = arith.minui %bitcast3A_201, %broadcast_in_dim3A_5 : vector<16xi32>
      %bitcast3A_203 = vector.bitcast %min3A_202 : vector<16xi32> to vector<16xi32>
      %get3A_204 = arith.index_cast %scan3A_141 : i32 to index
      %get3A_205 = arith.constant 64 : index
      %get3A_206 = tpu.vector_load %arg10[%get3A_204, %get3A_205] {strides = array<i32>} : memref<160x128xi32, #tpu.memory_space<vmem>>, vector<16xi32>,
      %mul3A_207 = arith.constant 128 : i32
      %mul3A_208 = arith.muli %scan3A_141, %mul3A_207 : i32
      %add3A_209 = arith.constant 80 : i32
      %add3A_210 = arith.addi %mul3A_208, %add3A_209 : i32
      %multiple_of3A_211 = tpu.assume_multiple %add3A_210, 16 : i32
      %get3A_212 = arith.index_cast %multiple_of3A_211 : i32 to index
      %get3A_213 = tpu.vector_load %arg8[%get3A_212] {strides = array<i32>} : memref<20480xi32, #tpu.memory_space<vmem>>, vector<16xi32>,
      %sub3A_214 = arith.subi %get3A_213, %broadcast_in_dim3A : vector<16xi32>
      %bitcast3A_215 = vector.bitcast %sub3A_214 : vector<16xi32> to vector<16xi32>
      %min3A_216 = arith.minui %bitcast3A_215, %broadcast_in_dim3A_5 : vector<16xi32>
      %bitcast3A_217 = vector.bitcast %min3A_216 : vector<16xi32> to vector<16xi32>
      %get3A_218 = arith.index_cast %scan3A_141 : i32 to index
      %get3A_219 = arith.constant 80 : index
      %get3A_220 = tpu.vector_load %arg10[%get3A_218, %get3A_219] {strides = array<i32>} : memref<160x128xi32, #tpu.memory_space<vmem>>, vector<16xi32>,
      %mul3A_221 = arith.constant 128 : i32
      %mul3A_222 = arith.muli %scan3A_141, %mul3A_221 : i32
      %add3A_223 = arith.constant 96 : i32
      %add3A_224 = arith.addi %mul3A_222, %add3A_223 : i32
      %multiple_of3A_225 = tpu.assume_multiple %add3A_224, 16 : i32
      %get3A_226 = arith.index_cast %multiple_of3A_225 : i32 to index
      %get3A_227 = tpu.vector_load %arg8[%get3A_226] {strides = array<i32>} : memref<20480xi32, #tpu.memory_space<vmem>>, vector<16xi32>,
      %sub3A_228 = arith.subi %get3A_227, %broadcast_in_dim3A : vector<16xi32>
      %bitcast3A_229 = vector.bitcast %sub3A_228 : vector<16xi32> to vector<16xi32>
      %min3A_230 = arith.minui %bitcast3A_229, %broadcast_in_dim3A_5 : vector<16xi32>
      %bitcast3A_231 = vector.bitcast %min3A_230 : vector<16xi32> to vector<16xi32>
      %get3A_232 = arith.index_cast %scan3A_141 : i32 to index
      %get3A_233 = arith.constant 96 : index
      %get3A_234 = tpu.vector_load %arg10[%get3A_232, %get3A_233] {strides = array<i32>} : memref<160x128xi32, #tpu.memory_space<vmem>>, vector<16xi32>,
      %mul3A_235 = arith.constant 128 : i32
      %mul3A_236 = arith.muli %scan3A_141, %mul3A_235 : i32
      %add3A_237 = arith.constant 112 : i32
      %add3A_238 = arith.addi %mul3A_236, %add3A_237 : i32
      %multiple_of3A_239 = tpu.assume_multiple %add3A_238, 16 : i32
      %get3A_240 = arith.index_cast %multiple_of3A_239 : i32 to index
      %get3A_241 = tpu.vector_load %arg8[%get3A_240] {strides = array<i32>} : memref<20480xi32, #tpu.memory_space<vmem>>, vector<16xi32>,
      %sub3A_242 = arith.subi %get3A_241, %broadcast_in_dim3A : vector<16xi32>
      %bitcast3A_243 = vector.bitcast %sub3A_242 : vector<16xi32> to vector<16xi32>
      %min3A_244 = arith.minui %bitcast3A_243, %broadcast_in_dim3A_5 : vector<16xi32>
      %bitcast3A_245 = vector.bitcast %min3A_244 : vector<16xi32> to vector<16xi32>
      %get3A_246 = arith.index_cast %scan3A_141 : i32 to index
      %get3A_247 = arith.constant 112 : index
      %get3A_248 = tpu.vector_load %arg10[%get3A_246, %get3A_247] {strides = array<i32>} : memref<160x128xi32, #tpu.memory_space<vmem>>, vector<16xi32>,
      tpu.vector_store_idx %arg6[%bitcast3A_147], %get3A_150 : memref<31320xi32, #tpu.memory_space<vmem>>[vector<16xi32>], vector<16xi32>,
      tpu.vector_store_idx %arg6[%bitcast3A_161], %get3A_164 : memref<31320xi32, #tpu.memory_space<vmem>>[vector<16xi32>], vector<16xi32>,
      tpu.vector_store_idx %arg6[%bitcast3A_175], %get3A_178 : memref<31320xi32, #tpu.memory_space<vmem>>[vector<16xi32>], vector<16xi32>,
      tpu.vector_store_idx %arg6[%bitcast3A_189], %get3A_192 : memref<31320xi32, #tpu.memory_space<vmem>>[vector<16xi32>], vector<16xi32>,
      tpu.vector_store_idx %arg6[%bitcast3A_203], %get3A_206 : memref<31320xi32, #tpu.memory_space<vmem>>[vector<16xi32>], vector<16xi32>,
      tpu.vector_store_idx %arg6[%bitcast3A_217], %get3A_220 : memref<31320xi32, #tpu.memory_space<vmem>>[vector<16xi32>], vector<16xi32>,
      tpu.vector_store_idx %arg6[%bitcast3A_231], %get3A_234 : memref<31320xi32, #tpu.memory_space<vmem>>[vector<16xi32>], vector<16xi32>,
      tpu.vector_store_idx %arg6[%bitcast3A_245], %get3A_248 : memref<31320xi32, #tpu.memory_space<vmem>>[vector<16xi32>], vector<16xi32>,
    }
    %scan3A_121 = arith.constant 160 : i32
    tpu.wait_dma2 semaphore(%arg15 : memref<!tpu.dma_semaphore, #tpu.memory_space<semaphore_mem>>) src(%arg11 : memref<160x128xi32, #tpu.memory_space<vmem_shared>>) dst(%arg9 : memref<160x128xi32, #tpu.memory_space<vmem>>)
    %barrier3A_122 = arith.constant 0 : index
    tpu.barrier barrier_id(%barrier3A_122)
    %dma_wait3A_123 = arith.constant 81920 : i32
    %dma_wait3A_124 = tpu.memref_slice %arg3[%dma_wait3A_123] : memref<102400xi32, #tpu.memory_space<hbm>> -> memref<20480xi32, #tpu.memory_space<hbm>>
    %dma_wait3A_125 = arith.constant 81920 : i32
    %dma_wait3A_126 = tpu.memref_slice %arg3[%dma_wait3A_125] : memref<102400xi32, #tpu.memory_space<hbm>> -> memref<20480xi32, #tpu.memory_space<hbm>>
    tpu.wait_dma2 semaphore(%arg13 : memref<!tpu.dma_semaphore, #tpu.memory_space<semaphore_mem>>) src(%dma_wait3A_126 : memref<20480xi32, #tpu.memory_space<hbm>>) dst(%arg7 : memref<20480xi32, #tpu.memory_space<vmem>>)
    %scan3A_127 = arith.constant 0 : i32
    %scan3A_128 = arith.constant 0 : i32
    %scan3A_129 = arith.constant 160 : i32
    %scan3A_130 = arith.addi %scan3A_128, %scan3A_129 : i32
    %scan3A_131 = arith.constant 1 : i32
    scf.for %scan3A_141 = %scan3A_128 to %scan3A_130 step %scan3A_131  : i32 {
      %mul3A_142 = arith.constant 128 : i32
      %mul3A_143 = arith.muli %scan3A_141, %mul3A_142 : i32
      %add3A_144 = arith.constant 0 : i32
      %add3A_145 = arith.addi %mul3A_143, %add3A_144 : i32
      %multiple_of3A = tpu.assume_multiple %add3A_145, 16 : i32
      %get3A = arith.index_cast %multiple_of3A : i32 to index
      %get3A_146 = tpu.vector_load %arg7[%get3A] {strides = array<i32>} : memref<20480xi32, #tpu.memory_space<vmem>>, vector<16xi32>,
      %sub3A = arith.subi %get3A_146, %broadcast_in_dim3A : vector<16xi32>
      %bitcast3A = vector.bitcast %sub3A : vector<16xi32> to vector<16xi32>
      %min3A = arith.minui %bitcast3A, %broadcast_in_dim3A_5 : vector<16xi32>
      %bitcast3A_147 = vector.bitcast %min3A : vector<16xi32> to vector<16xi32>
      %get3A_148 = arith.index_cast %scan3A_141 : i32 to index
      %get3A_149 = arith.constant 0 : index
      %get3A_150 = tpu.vector_load %arg9[%get3A_148, %get3A_149] {strides = array<i32>} : memref<160x128xi32, #tpu.memory_space<vmem>>, vector<16xi32>,
      %mul3A_151 = arith.constant 128 : i32
      %mul3A_152 = arith.muli %scan3A_141, %mul3A_151 : i32
      %add3A_153 = arith.constant 16 : i32
      %add3A_154 = arith.addi %mul3A_152, %add3A_153 : i32
      %multiple_of3A_155 = tpu.assume_multiple %add3A_154, 16 : i32
      %get3A_156 = arith.index_cast %multiple_of3A_155 : i32 to index
      %get3A_157 = tpu.vector_load %arg7[%get3A_156] {strides = array<i32>} : memref<20480xi32, #tpu.memory_space<vmem>>, vector<16xi32>,
      %sub3A_158 = arith.subi %get3A_157, %broadcast_in_dim3A : vector<16xi32>
      %bitcast3A_159 = vector.bitcast %sub3A_158 : vector<16xi32> to vector<16xi32>
      %min3A_160 = arith.minui %bitcast3A_159, %broadcast_in_dim3A_5 : vector<16xi32>
      %bitcast3A_161 = vector.bitcast %min3A_160 : vector<16xi32> to vector<16xi32>
      %get3A_162 = arith.index_cast %scan3A_141 : i32 to index
      %get3A_163 = arith.constant 16 : index
      %get3A_164 = tpu.vector_load %arg9[%get3A_162, %get3A_163] {strides = array<i32>} : memref<160x128xi32, #tpu.memory_space<vmem>>, vector<16xi32>,
      %mul3A_165 = arith.constant 128 : i32
      %mul3A_166 = arith.muli %scan3A_141, %mul3A_165 : i32
      %add3A_167 = arith.constant 32 : i32
      %add3A_168 = arith.addi %mul3A_166, %add3A_167 : i32
      %multiple_of3A_169 = tpu.assume_multiple %add3A_168, 16 : i32
      %get3A_170 = arith.index_cast %multiple_of3A_169 : i32 to index
      %get3A_171 = tpu.vector_load %arg7[%get3A_170] {strides = array<i32>} : memref<20480xi32, #tpu.memory_space<vmem>>, vector<16xi32>,
      %sub3A_172 = arith.subi %get3A_171, %broadcast_in_dim3A : vector<16xi32>
      %bitcast3A_173 = vector.bitcast %sub3A_172 : vector<16xi32> to vector<16xi32>
      %min3A_174 = arith.minui %bitcast3A_173, %broadcast_in_dim3A_5 : vector<16xi32>
      %bitcast3A_175 = vector.bitcast %min3A_174 : vector<16xi32> to vector<16xi32>
      %get3A_176 = arith.index_cast %scan3A_141 : i32 to index
      %get3A_177 = arith.constant 32 : index
      %get3A_178 = tpu.vector_load %arg9[%get3A_176, %get3A_177] {strides = array<i32>} : memref<160x128xi32, #tpu.memory_space<vmem>>, vector<16xi32>,
      %mul3A_179 = arith.constant 128 : i32
      %mul3A_180 = arith.muli %scan3A_141, %mul3A_179 : i32
      %add3A_181 = arith.constant 48 : i32
      %add3A_182 = arith.addi %mul3A_180, %add3A_181 : i32
      %multiple_of3A_183 = tpu.assume_multiple %add3A_182, 16 : i32
      %get3A_184 = arith.index_cast %multiple_of3A_183 : i32 to index
      %get3A_185 = tpu.vector_load %arg7[%get3A_184] {strides = array<i32>} : memref<20480xi32, #tpu.memory_space<vmem>>, vector<16xi32>,
      %sub3A_186 = arith.subi %get3A_185, %broadcast_in_dim3A : vector<16xi32>
      %bitcast3A_187 = vector.bitcast %sub3A_186 : vector<16xi32> to vector<16xi32>
      %min3A_188 = arith.minui %bitcast3A_187, %broadcast_in_dim3A_5 : vector<16xi32>
      %bitcast3A_189 = vector.bitcast %min3A_188 : vector<16xi32> to vector<16xi32>
      %get3A_190 = arith.index_cast %scan3A_141 : i32 to index
      %get3A_191 = arith.constant 48 : index
      %get3A_192 = tpu.vector_load %arg9[%get3A_190, %get3A_191] {strides = array<i32>} : memref<160x128xi32, #tpu.memory_space<vmem>>, vector<16xi32>,
      %mul3A_193 = arith.constant 128 : i32
      %mul3A_194 = arith.muli %scan3A_141, %mul3A_193 : i32
      %add3A_195 = arith.constant 64 : i32
      %add3A_196 = arith.addi %mul3A_194, %add3A_195 : i32
      %multiple_of3A_197 = tpu.assume_multiple %add3A_196, 16 : i32
      %get3A_198 = arith.index_cast %multiple_of3A_197 : i32 to index
      %get3A_199 = tpu.vector_load %arg7[%get3A_198] {strides = array<i32>} : memref<20480xi32, #tpu.memory_space<vmem>>, vector<16xi32>,
      %sub3A_200 = arith.subi %get3A_199, %broadcast_in_dim3A : vector<16xi32>
      %bitcast3A_201 = vector.bitcast %sub3A_200 : vector<16xi32> to vector<16xi32>
      %min3A_202 = arith.minui %bitcast3A_201, %broadcast_in_dim3A_5 : vector<16xi32>
      %bitcast3A_203 = vector.bitcast %min3A_202 : vector<16xi32> to vector<16xi32>
      %get3A_204 = arith.index_cast %scan3A_141 : i32 to index
      %get3A_205 = arith.constant 64 : index
      %get3A_206 = tpu.vector_load %arg9[%get3A_204, %get3A_205] {strides = array<i32>} : memref<160x128xi32, #tpu.memory_space<vmem>>, vector<16xi32>,
      %mul3A_207 = arith.constant 128 : i32
      %mul3A_208 = arith.muli %scan3A_141, %mul3A_207 : i32
      %add3A_209 = arith.constant 80 : i32
      %add3A_210 = arith.addi %mul3A_208, %add3A_209 : i32
      %multiple_of3A_211 = tpu.assume_multiple %add3A_210, 16 : i32
      %get3A_212 = arith.index_cast %multiple_of3A_211 : i32 to index
      %get3A_213 = tpu.vector_load %arg7[%get3A_212] {strides = array<i32>} : memref<20480xi32, #tpu.memory_space<vmem>>, vector<16xi32>,
      %sub3A_214 = arith.subi %get3A_213, %broadcast_in_dim3A : vector<16xi32>
      %bitcast3A_215 = vector.bitcast %sub3A_214 : vector<16xi32> to vector<16xi32>
      %min3A_216 = arith.minui %bitcast3A_215, %broadcast_in_dim3A_5 : vector<16xi32>
      %bitcast3A_217 = vector.bitcast %min3A_216 : vector<16xi32> to vector<16xi32>
      %get3A_218 = arith.index_cast %scan3A_141 : i32 to index
      %get3A_219 = arith.constant 80 : index
      %get3A_220 = tpu.vector_load %arg9[%get3A_218, %get3A_219] {strides = array<i32>} : memref<160x128xi32, #tpu.memory_space<vmem>>, vector<16xi32>,
      %mul3A_221 = arith.constant 128 : i32
      %mul3A_222 = arith.muli %scan3A_141, %mul3A_221 : i32
      %add3A_223 = arith.constant 96 : i32
      %add3A_224 = arith.addi %mul3A_222, %add3A_223 : i32
      %multiple_of3A_225 = tpu.assume_multiple %add3A_224, 16 : i32
      %get3A_226 = arith.index_cast %multiple_of3A_225 : i32 to index
      %get3A_227 = tpu.vector_load %arg7[%get3A_226] {strides = array<i32>} : memref<20480xi32, #tpu.memory_space<vmem>>, vector<16xi32>,
      %sub3A_228 = arith.subi %get3A_227, %broadcast_in_dim3A : vector<16xi32>
      %bitcast3A_229 = vector.bitcast %sub3A_228 : vector<16xi32> to vector<16xi32>
      %min3A_230 = arith.minui %bitcast3A_229, %broadcast_in_dim3A_5 : vector<16xi32>
      %bitcast3A_231 = vector.bitcast %min3A_230 : vector<16xi32> to vector<16xi32>
      %get3A_232 = arith.index_cast %scan3A_141 : i32 to index
      %get3A_233 = arith.constant 96 : index
      %get3A_234 = tpu.vector_load %arg9[%get3A_232, %get3A_233] {strides = array<i32>} : memref<160x128xi32, #tpu.memory_space<vmem>>, vector<16xi32>,
      %mul3A_235 = arith.constant 128 : i32
      %mul3A_236 = arith.muli %scan3A_141, %mul3A_235 : i32
      %add3A_237 = arith.constant 112 : i32
      %add3A_238 = arith.addi %mul3A_236, %add3A_237 : i32
      %multiple_of3A_239 = tpu.assume_multiple %add3A_238, 16 : i32
      %get3A_240 = arith.index_cast %multiple_of3A_239 : i32 to index
      %get3A_241 = tpu.vector_load %arg7[%get3A_240] {strides = array<i32>} : memref<20480xi32, #tpu.memory_space<vmem>>, vector<16xi32>,
      %sub3A_242 = arith.subi %get3A_241, %broadcast_in_dim3A : vector<16xi32>
      %bitcast3A_243 = vector.bitcast %sub3A_242 : vector<16xi32> to vector<16xi32>
      %min3A_244 = arith.minui %bitcast3A_243, %broadcast_in_dim3A_5 : vector<16xi32>
      %bitcast3A_245 = vector.bitcast %min3A_244 : vector<16xi32> to vector<16xi32>
      %get3A_246 = arith.index_cast %scan3A_141 : i32 to index
      %get3A_247 = arith.constant 112 : index
      %get3A_248 = tpu.vector_load %arg9[%get3A_246, %get3A_247] {strides = array<i32>} : memref<160x128xi32, #tpu.memory_space<vmem>>, vector<16xi32>,
      tpu.vector_store_idx %arg6[%bitcast3A_147], %get3A_150 : memref<31320xi32, #tpu.memory_space<vmem>>[vector<16xi32>], vector<16xi32>,
      tpu.vector_store_idx %arg6[%bitcast3A_161], %get3A_164 : memref<31320xi32, #tpu.memory_space<vmem>>[vector<16xi32>], vector<16xi32>,
      tpu.vector_store_idx %arg6[%bitcast3A_175], %get3A_178 : memref<31320xi32, #tpu.memory_space<vmem>>[vector<16xi32>], vector<16xi32>,
      tpu.vector_store_idx %arg6[%bitcast3A_189], %get3A_192 : memref<31320xi32, #tpu.memory_space<vmem>>[vector<16xi32>], vector<16xi32>,
      tpu.vector_store_idx %arg6[%bitcast3A_203], %get3A_206 : memref<31320xi32, #tpu.memory_space<vmem>>[vector<16xi32>], vector<16xi32>,
      tpu.vector_store_idx %arg6[%bitcast3A_217], %get3A_220 : memref<31320xi32, #tpu.memory_space<vmem>>[vector<16xi32>], vector<16xi32>,
      tpu.vector_store_idx %arg6[%bitcast3A_231], %get3A_234 : memref<31320xi32, #tpu.memory_space<vmem>>[vector<16xi32>], vector<16xi32>,
      tpu.vector_store_idx %arg6[%bitcast3A_245], %get3A_248 : memref<31320xi32, #tpu.memory_space<vmem>>[vector<16xi32>], vector<16xi32>,
    }
    %scan3A_132 = arith.constant 160 : i32
    %not3A_133 = arith.constant true
    %not3A_134 = arith.xori %eq3A_3, %not3A_133 : i1
    %convert_element_type3A_135 = arith.extui %not3A_134 : i1 to i32
    %cond3A_136 = arith.constant 0 : i32
    %cond3A_137 = arith.cmpi ne, %convert_element_type3A_135, %cond3A_136 : i32
    scf.if %cond3A_137 {
      "tpu.region"() ({
        %run_scoped3A = tpu.sem_alloc : memref<!tpu.dma_semaphore, #tpu.memory_space<semaphore_mem>>
        %dma_start3A_141 = arith.constant 0 : i32
        %dma_start3A_142 = tpu.memref_slice %arg6[%dma_start3A_141] : memref<31320xi32, #tpu.memory_space<vmem>> -> memref<31248xi32, #tpu.memory_space<vmem>>
        %dma_start3A_143 = tpu.memref_slice %arg5[%mul3A_2] : memref<1000000xi32, #tpu.memory_space<hbm>> -> memref<31248xi32, #tpu.memory_space<hbm>>
        %dma_start3A_144 = tpu.memref_slice %arg5[%mul3A_2] : memref<1000000xi32, #tpu.memory_space<hbm>> -> memref<31248xi32, #tpu.memory_space<hbm>>
        %dma_start3A_145 = arith.constant 0 : i32
        %dma_start3A_146 = tpu.memref_slice %arg6[%dma_start3A_145] : memref<31320xi32, #tpu.memory_space<vmem>> -> memref<31248xi32, #tpu.memory_space<vmem>>
        tpu.enqueue_dma source(%dma_start3A_146 : memref<31248xi32, #tpu.memory_space<vmem>>) target(%dma_start3A_144 : memref<31248xi32, #tpu.memory_space<hbm>>) target_semaphore(%run_scoped3A : memref<!tpu.dma_semaphore, #tpu.memory_space<semaphore_mem>>)
        %dma_wait3A_147 = arith.constant 0 : i32
        %dma_wait3A_148 = tpu.memref_slice %arg6[%dma_wait3A_147] : memref<31320xi32, #tpu.memory_space<vmem>> -> memref<31248xi32, #tpu.memory_space<vmem>>
        %dma_wait3A_149 = tpu.memref_slice %arg5[%mul3A_2] : memref<1000000xi32, #tpu.memory_space<hbm>> -> memref<31248xi32, #tpu.memory_space<hbm>>
        %dma_wait3A_150 = tpu.memref_slice %arg5[%mul3A_2] : memref<1000000xi32, #tpu.memory_space<hbm>> -> memref<31248xi32, #tpu.memory_space<hbm>>
        %dma_wait3A_151 = arith.constant 0 : i32
        %dma_wait3A_152 = tpu.memref_slice %arg6[%dma_wait3A_151] : memref<31320xi32, #tpu.memory_space<vmem>> -> memref<31248xi32, #tpu.memory_space<vmem>>
        tpu.wait_dma2 semaphore(%run_scoped3A : memref<!tpu.dma_semaphore, #tpu.memory_space<semaphore_mem>>) src(%dma_wait3A_152 : memref<31248xi32, #tpu.memory_space<vmem>>) dst(%dma_wait3A_150 : memref<31248xi32, #tpu.memory_space<hbm>>)
        tpu.yield
      }) : () -> ()
    } else {
    }
    %convert_element_type3A_138 = arith.extui %eq3A_3 : i1 to i32
    %cond3A_139 = arith.constant 0 : i32
    %cond3A_140 = arith.cmpi ne, %convert_element_type3A_138, %cond3A_139 : i32
    scf.if %cond3A_140 {
      "tpu.region"() ({
        %run_scoped3A = tpu.sem_alloc : memref<!tpu.dma_semaphore, #tpu.memory_space<semaphore_mem>>
        %dma_start3A_141 = arith.constant 0 : i32
        %dma_start3A_142 = tpu.memref_slice %arg6[%dma_start3A_141] : memref<31320xi32, #tpu.memory_space<vmem>> -> memref<31312xi32, #tpu.memory_space<vmem>>
        %dma_start3A_143 = tpu.memref_slice %arg5[%mul3A_2] : memref<1000000xi32, #tpu.memory_space<hbm>> -> memref<31312xi32, #tpu.memory_space<hbm>>
        %dma_start3A_144 = tpu.memref_slice %arg5[%mul3A_2] : memref<1000000xi32, #tpu.memory_space<hbm>> -> memref<31312xi32, #tpu.memory_space<hbm>>
        %dma_start3A_145 = arith.constant 0 : i32
        %dma_start3A_146 = tpu.memref_slice %arg6[%dma_start3A_145] : memref<31320xi32, #tpu.memory_space<vmem>> -> memref<31312xi32, #tpu.memory_space<vmem>>
        tpu.enqueue_dma source(%dma_start3A_146 : memref<31312xi32, #tpu.memory_space<vmem>>) target(%dma_start3A_144 : memref<31312xi32, #tpu.memory_space<hbm>>) target_semaphore(%run_scoped3A : memref<!tpu.dma_semaphore, #tpu.memory_space<semaphore_mem>>)
        %dma_wait3A_147 = arith.constant 0 : i32
        %dma_wait3A_148 = tpu.memref_slice %arg6[%dma_wait3A_147] : memref<31320xi32, #tpu.memory_space<vmem>> -> memref<31312xi32, #tpu.memory_space<vmem>>
        %dma_wait3A_149 = tpu.memref_slice %arg5[%mul3A_2] : memref<1000000xi32, #tpu.memory_space<hbm>> -> memref<31312xi32, #tpu.memory_space<hbm>>
        %dma_wait3A_150 = tpu.memref_slice %arg5[%mul3A_2] : memref<1000000xi32, #tpu.memory_space<hbm>> -> memref<31312xi32, #tpu.memory_space<hbm>>
        %dma_wait3A_151 = arith.constant 0 : i32
        %dma_wait3A_152 = tpu.memref_slice %arg6[%dma_wait3A_151] : memref<31320xi32, #tpu.memory_space<vmem>> -> memref<31312xi32, #tpu.memory_space<vmem>>
        tpu.wait_dma2 semaphore(%run_scoped3A : memref<!tpu.dma_semaphore, #tpu.memory_space<semaphore_mem>>) src(%dma_wait3A_152 : memref<31312xi32, #tpu.memory_space<vmem>>) dst(%dma_wait3A_150 : memref<31312xi32, #tpu.memory_space<hbm>>)
        tpu.yield
      }) : () -> ()
    } else {
    }
    return
  }
}

</mosaic_0001>

<sc_bundles>
// kernel: kernel.3.cloned.1.call-start
scs
__scs_entry_jumppad:
0x0: {  	(pc) =	sbr.rel $0x88, $3  }
0x1: {  	(tag) =	ssettag $0x0;
	lr =	simm.s32 $0x1  }
0x2: {  	[smem:$0x3F9E] =	sst lr;
	_ =	strace $0xD0000000  }
0x3: {  	_ = 	snop  }
0x4: {  	_ = 	snop  }
0x5: {  	_ = 	snop  }
0x6: {  	_ = 	snop  }
0x7: {  	_ = 	snop  }
__scs_overlays_trampoline_lowered:
0x8: {  	[smem:$0x3FAD] =	sst s0  }
0x9: {  	[smem:$0x3FAE] =	sst s1  }
0xa: {  	[smem:$0x3FAF] =	sst s2  }
0xb: {  	[smem:$0x3FB0] =	sst s3  }
0xc: {  	[smem:$0x3FB1] =	sst s4  }
0xd: {  	[smem:$0x3FB2] =	sst s5  }
0xe: {  	[smem:$0x3FB3] =	sst s6  }
0xf: {  	[smem:$0x3FB4] =	sst s7  }
0x10: {  	[smem:$0x3FB5] =	sst s8  }
0x11: {  	[smem:$0x3FB6] =	sst s9;
	s0 =	simm.s32 @!p0 $0x0  }
0x12: {  	s1 =	sld [smem:$0x3F9C];
	s0 =	simm.s32 @p0 $0x1  }
0x13: {  	[smem:$0x3FB7] =	sst s0;
	s0 =	simm.s32 @!p1 $0x0  }
0x14: {  	s2 =	sld [smem:$0x3F9B];
	s0 =	simm.s32 @p1 $0x1  }
0x15: {  	[smem:$0x3FB8] =	sst s0;
	s0 =	simm.s32 @!p2 $0x0  }
0x16: {  	s3 =	sld [smem:$0x3FDB];
	s0 =	simm.s32 @p2 $0x1  }
0x17: {  	s4 =	simm.s32 $0x1BF5;
	[smem:$0x3FBA] =	sst s0  }
0x18: {  	s0 =	sld [smem:$0x3F9D];
	_ =	swait.ge [sflag:s4], $0x0  }
0x19: {  	s7 =	sld [smem:$0x3F9E]  }
0x1a: {  	s8 =	sadd.s32 $0xFFFFE003, lr  }
0x1b: {  	s9 =	sadd.s32 $0xFFFFFEF7, lr;
	s5 =	simm.s32 $0xFFFFFFFF;
	p2 =	slt.u32 s8, $0xFFFFF086  }
0x1c: {  	p1 =	slt.u32 s9, $0xF7A;
	s5 =	simm.s32 @!p2 $0x0  }
0x1d: {  	s5 =	simm.s32 @p1 $0x1;
	p0 =	seq.s32 s7, s2  }
0x1e: {  	s7 =	smul.u32 @!p0 $0xF7A, s2;
	p2 =	seq.s32 @!p0 s5, $0x0  }
0x1f: {  	s9 =	smul.u32 $0xF7A, s1;
	s8 =	simm.s32 @!p0 $0x1BF5;
	p2 =	por !p2, p0  }
0x20: {  	[sflag:s8] =	ssyncset.s32 @!p0 $0xFFFFF086;
	s6 =	sadd.s32 @!p0 s3, s7;
	s7 =	simm.s32 @!p0 $0x108  }
0x21: {  	s3 =	sadd.s32 s3, s9;
	s6 =	sadd.s32 @!p0 $0x88, s6;
	s7 =	simm.s32 @p2 $0x1082  }
0x22: {  	[simem:s7], [sflag:s8] =	dma.local @!p0 [hbm:s6], $0xF7A  }
0x23: {  	s9 =	sor.u32 $0xD0000000, s2;
	s6 =	simm.s32 $0x108;
	_ =	swait.ge @!p0 [sflag:s8], $0x0  }
0x24: {  	s3 =	sadd.s32 $0x88, s3;
	s6 =	simm.s32 @!p1 $0x1082;
	[sflag:s4] =	ssyncset.s32 $0xFFFFF086  }
0x25: {  	[simem:s6], [sflag:s4] =	dma.local [hbm:s3], $0xF7A  }
0x26: {  	[smem:$0x3F9E] =	sst s1;
	(tag) =	ssettag s2;
	_ =	strace s9  }
0x27: {  	s1 =	sld [smem:$0x3FAE]  }
0x28: {  	s2 =	sld [smem:$0x3FAF]  }
0x29: {  	s4 =	sld [smem:$0x3FB1]  }
0x2a: {  	p0 =	seq.s32 s5, $0x0;
	s5 =	sld [smem:$0x3FB2]  }
0x2b: {  	s6 =	sld [smem:$0x3FB3]  }
0x2c: {  	s7 =	sld [smem:$0x3FB4]  }
0x2d: {  	s3 =	simm.s32 $0x108;
	s8 =	sld [smem:$0x3FB5]  }
0x2e: {  	s3 =	simm.s32 @!p0 $0x1082;
	s9 =	sld [smem:$0x3FB6]  }
0x2f: {  	lr =	sadd.s32 s0, s3;
	s0 =	sld [smem:$0x3FAD]  }
0x30: {  	s3 =	sld [smem:$0x3FB0]  }
0x31: {  	[smem:$0x3FB9] =	sst s10  }
0x32: {  	s10 =	sld [smem:$0x3FB7];
	_ =	sdelay $0x3  }
0x33: {  	p0 =	seq.s32 s10, $0x1;
	s10 =	sld [smem:$0x3FB9];
	_ =	sdelay $0x3  }
0x34: {  	[smem:$0x3FB9] =	sst s10  }
0x35: {  	s10 =	sld [smem:$0x3FB8];
	_ =	sdelay $0x3  }
0x36: {  	p1 =	seq.s32 s10, $0x1;
	s10 =	sld [smem:$0x3FB9];
	_ =	sdelay $0x3  }
0x37: {  	[smem:$0x3FB9] =	sst s10  }
0x38: {  	s10 =	sld [smem:$0x3FBA]  }
0x39: {  	_ = 	snop;
	(pc) =	sbr.ind lr, $3  }
0x3a: {  	_ = 	snop  }
0x3b: {  	_ = 	snop  }
0x3c: {  	p2 =	seq.s32 s10, $0x1;
	s10 =	sld [smem:$0x3FB9]  }
0x3d: {  	_ =	shalt  }
0x3e: {  	_ =	shalt  }
0x3f: {  	_ =	shalt  }
0x40: {  	_ =	shalt  }
0x41: {  	_ =	shalt  }
0x42: {  	_ =	shalt  }
0x43: {  	_ =	shalt  }
0x44: {  	_ =	shalt  }
0x45: {  	_ =	shalt  }
0x46: {  	_ =	shalt  }
0x47: {  	_ =	shalt  }
0x48: {  	_ =	shalt  }
0x49: {  	_ =	shalt  }
0x4a: {  	_ =	shalt  }
0x4b: {  	_ =	shalt  }
0x4c: {  	_ =	shalt  }
0x4d: {  	_ =	shalt  }
0x4e: {  	_ =	shalt  }
0x4f: {  	_ =	shalt  }
0x50: {  	_ =	shalt  }
0x51: {  	_ =	shalt  }
0x52: {  	_ =	shalt  }
0x53: {  	_ =	shalt  }
0x54: {  	_ =	shalt  }
0x55: {  	_ =	shalt  }
0x56: {  	_ =	shalt  }
0x57: {  	_ =	shalt  }
0x58: {  	_ =	shalt  }
0x59: {  	_ =	shalt  }
0x5a: {  	_ =	shalt  }
0x5b: {  	_ =	shalt  }
0x5c: {  	_ =	shalt  }
0x5d: {  	_ =	shalt  }
0x5e: {  	_ =	shalt  }
0x5f: {  	_ =	shalt  }
0x60: {  	_ =	shalt  }
0x61: {  	_ =	shalt  }
0x62: {  	_ =	shalt  }
0x63: {  	_ =	shalt  }
0x64: {  	_ =	shalt  }
0x65: {  	_ =	shalt  }
0x66: {  	_ =	shalt  }
0x67: {  	_ =	shalt  }
0x68: {  	_ =	shalt  }
0x69: {  	_ =	shalt  }
0x6a: {  	_ =	shalt  }
0x6b: {  	_ =	shalt  }
0x6c: {  	_ =	shalt  }
0x6d: {  	_ =	shalt  }
0x6e: {  	_ =	shalt  }
0x6f: {  	_ =	shalt  }
0x70: {  	_ =	shalt  }
0x71: {  	_ =	shalt  }
0x72: {  	_ =	shalt  }
0x73: {  	_ =	shalt  }
0x74: {  	_ =	shalt  }
0x75: {  	_ =	shalt  }
0x76: {  	_ =	shalt  }
0x77: {  	_ =	shalt  }
0x78: {  	_ =	shalt  }
0x79: {  	_ =	shalt  }
0x7a: {  	_ =	shalt  }
0x7b: {  	_ =	shalt  }
0x7c: {  	_ =	shalt  }
0x7d: {  	_ =	shalt  }
0x7e: {  	_ =	shalt  }
0x7f: {  	_ =	shalt  }
0x80: {  	_ =	shalt  }
0x81: {  	_ =	shalt  }
0x82: {  	_ =	shalt  }
0x83: {  	_ =	shalt  }
0x84: {  	_ =	shalt  }
0x85: {  	_ =	shalt  }
0x86: {  	_ =	shalt  }
0x87: {  	_ =	shalt  }
.Lfunc_end0:
.L_simem_size_0:
called_computation_lowered:
.L_overlay_start_0:
0x88: {  	s2 =	sld [smem:$0x3FD9]  }
0x89: {  	s3 =	sld [smem:$0x3FFE];
	_ =	sdelay $0x1  }
0x8a: {  	s1 =	srdreg.scid  }
0x8b: {  	s0 =	sand.u32 $0x1, s1  }
0x8c: {  	s17 =	sshll.u32 s0, $0xA;
	s2 =	sadd.s32 s3, s2  }
0x8d: {  	s2 =	sadd.s32 s2, s17  }
0x8e: {  	[smem:$0x3FC5] =	sst s2  }
0x8f: {  	_ = 	snop  }
0x90: {  	s2 =	sld [smem:$0x3FC9]  }
0x91: {  	s18 =	sld [smem:$0x3FD0];
	(tm) =	ssettm $0x1  }
0x92: {  	s4 =	sld [smem:$0x3FFB];
	_ =	sdelay $0x3  }
0x93: {  	_ =	strace s4  }
0x94: {  	s4 =	sld [smem:$0x3FFC];
	_ =	sdelay $0x3  }
0x95: {  	_ =	strace s4  }
0x96: {  	s4 =	sld [smem:$0x3FFD];
	_ =	sdelay $0x3  }
0x97: {  	_ =	strace s4  }
0x98: {  	_ =	strace $0x8FFFFFFF  }
0x99: {  	s19 =	sld [smem:$0x3FDB];
	_ =	sdelay $0x1  }
0x9a: {  	s5 =	simm.s32 $_scs_section_size  }
0x9b: {  	s6 =	simm.s32 $_size__tile_overlayer_lowered;
	s7 =	simm.s32 $_tile_overlayer_lowered  }
0x9c: {  	s22 =	simm.s32 $0x1BFF;
	s21 =	sshll.u32 s7, $0x1;
	s4 =	sadd.s32 s5, s19  }
0x9d: {  	s8 =	simm.s32 $0x0;
	s20 =	sshll.u32 s6, $0x1;
	s6 =	sadd.s32 s21, s4  }
0x9e: {  	[timem:s8], [sflag:s22] =	dma.local [hbm:s6], s20  }
0x9f: {  	_ =	swait.ge [sflag:s22], s20  }
0xa0: {  	s5 =	ssub.s32 $0x0, s20;
	[sflag:s22] =	ssyncset.done $0x0  }
0xa1: {  	[sflag:s22] =	ssyncadd.s32 s5;
	_ =	sdelay $0x1  }
0xa2: {  	s23 =	simm.s32 $0x1B8B  }
0xa3: {  	_ =	swait.ge [sflag:s23], $0x1  }
0xa4: {  	[sflag:s23] =	ssyncset.done $0x0  }
0xa5: {  	s25 =	simm.s32 $0x1B8E;
	s24 =	sld [smem:$0x3FFE];
	[sflag:s23] =	ssyncadd.s32 $0xFFFFFFFF  }
0xa6: {  	s26 =	simm.s32 $execute0_lowered;
	[smem:$0x3FD2] =	sst s25  }
0xa7: {  	s6 =	sshll.u32 s26, $0x1;
	_ =	strace $0x80000046;
	[dreg:$0x1] =	wrdreg $0xFFFFFFFF  }
0xa8: {  	s28 =	simm.s32 $_size_execute0_lowered;
	s4 =	sadd.s32 s4, s6;
	[dreg:$0x0] =	wrdreg $0x0  }
0xa9: {  	s6 =	sshll.u32 s28, $0x1;
	[dreg:$0x2] =	wrdreg s4  }
0xaa: {  	[dreg:$0x3] =	wrdreg s6  }
0xab: {  	[dreg:$0x4] =	wrdreg $0xC0  }
0xac: {  	_ =	task [dreg:s8], $0x5FFFF  }
0xad: {  	[dreg:$0x1] =	wrdreg $0xFFFFFFFF  }
0xae: {  	[dreg:$0x0] =	wrdreg $0x60  }
0xaf: {  	[dreg:$0x2] =	wrdreg s2  }
0xb0: {  	[dreg:$0x3] =	wrdreg s24  }
0xb1: {  	[dreg:$0x4] =	wrdreg s18  }
0xb2: {  	[dreg:$0x5] =	wrdreg $0x1BA800  }
0xb3: {  	[dreg:$0x6] =	wrdreg $0x1BF800  }
0xb4: {  	[dreg:$0x7] =	wrdreg $0x9  }
0xb5: {  	_ =	task.clear_ibuf [dreg:s8], $0x8FFFF;
	_ =	strace $0x90000046  }
0xb6: {  	s29 =	simm.s32 $0x9;
	_ =	strace $0x80000048  }
0xb7: {  	_ =	swait.ge [sflag:s29], $0x1  }
0xb8: {  	[sflag:s29] =	ssyncadd.s32 $0xFFFFFFFF  }
0xb9: {  	_ =	strace $0x90000048  }
0xba: {  	_ =	sfence  }
0xbb: {  	s30 =	sld [smem:$0x0];
	_ =	sdelay $0x2  }
0xbc: {  	s31 =	sshll.u32 s1, $0xD;
	s1 =	sshrl.u32 s1, $0x2  }
0xbd: {  	s3 =	sand.u32 $0x4000, s31;
	s1 =	sadd.s32 s1, s30  }
0xbe: {  	s0 =	sor.u32 s3, s0;
	s1 =	sshll.u32 s1, $0x11  }
0xbf: {  	s0 =	sor.u32 s1, s0  }
0xc0: {  	s0 =	sadd.s32 $0x8F2B, s0  }
0xc1: {  	[sflag:s0] =	ssyncadd.remote.s32 $0x1  }
0xc2: {  	_ =	sfence.sel $0xFFFF  }
0xc3: {  	[dreg:$0x0] =	wrdreg $0xFFFFFFFF;
	(pc) =	sbr.abs _section_cstart, $3  }
0xc4: {  	[dreg:$0x1] =	wrdreg $0xFFFFFFFF  }
0xc5: {  	_ =	task.clear_ibuf [dreg:s8], $0x2FFFF;
	_ =	strace $0x9FFFFFFF  }
0xc6: {  	(tm) =	ssettm $0x7FFFFFFF  }
0xc7: {  	_ =	shalt  }
tec
execute0_lowered:
.L_overlay_start_1:
0x0: {  	(tag) =	ssettag $0x1  }
0x1: {  	s7 =	rddreg [dreg:$0x0]  }
0x2: {  	s15 =	rddreg [dreg:$0x1]  }
0x3: {  	s17 =	rddreg [dreg:$0x2]  }
0x4: {  	s1 =	rddreg [dreg:$0x3]  }
0x5: {  	s2 =	rddreg [dreg:$0x4];
	s4 =	srdreg.scid  }
0x6: {  	s18 =	stileid.u32;
	s3 =	simm.s32 $0x0;
	s29 =	simm.s32 $0x7A50  }
0x7: {  	s20 =	simm.s32 $0x7A80;
	s22 =	simm.s32 $0x11A80;
	s23 =	simm.s32 $0x3  }
0x8: {  	s24 =	simm.s32 $0x16A80;
	s25 =	simm.s32 $0x1;
	s26 =	simm.s32 $0xCA80  }
0x9: {  	s30 =	simm.s32 $0x0;
	s4 =	sand.u32 $0x1, s4;
	s5 =	sshll.u32 s18, $0x1  }
0xa: {  	[smem:$0x7FF] =	sst s3;
	s10 =	sadd.s32 $0x4000, s15;
	s11 =	sadd.s32 $0x2200, s15  }
0xb: {  	s12 =	sadd.s32 $0x4A00, s15;
	s13 =	sadd.s32 $0x2C00, s15;
	s14 =	sadd.s32 $0x5400, s15  }
0xc: {  	p1 =	sne.s32 s18, $0x0;
	s6 =	sor.u32 s4, s5;
	_ =	strace $0x80000047  }
0xd: {  	s8 =	ssub.s32 $0x2, s4;
	s4 =	sadd.s32 $0x3600, s15;
	s5 =	sadd.s32 $0x400, s15  }
0xe: {  	s21 =	sshrl.u32 @!p1 s2, $0x3;
	s9 =	sshrl.u32 s8, $0x1;
	p0 =	seq.s32 s6, $0x1F  }
0xf: {  	s28 =	smul.u32 $0x7A10, s6;
	s19 =	ssub.s32 s8, s9;
	s29 =	simm.s32 @!p0 $0x7A10  }
0x10: {  	s8 =	sadd.s32 $0xE00, s15;
	s9 =	sadd.s32 $0x1800, s15;
	s15 =	sadd.s32 $0x5E00, s15  }
0x11: {  	s16 =	sshrl.u32 s28, $0x3;
	s18 =	smax.u32 s19, $0x1;
	s19 =	sshrl.u32 @!p1 s1, $0x3  }
0x12: {  	v0 =	vmov s28;
	v1 =	vmov s29;
	s28 =	simm.s32 $0x4;
	s29 =	simm.s32 $0x2;
	s6 =	sadd.s32 s7, s16  }
0x13: {  	s7 =	sadd.s32 $0x1D8FE, s7;
	s16 =	sadd.s32 s17, s16;
	s17 =	sadd.s32 $0x1D8FE, s17  }
.LBB2_1:
0x14: {  	s31 =	simm.s32 @!p1 $0x1C05  }
0x15: {  	[spmem:s19], [sflag:s31] =	dma.local @!p1 [hbm:s5], $0xA00  }
0x16: {  	[tilespmem:s20], [sflag:$0x1] =	stream.linear.gather [hbm4b:s4+s3], $0x5000, $0x38;
	[tilespmem:$0x1C480] =	vst v63  }
0x17: {  	s0 =	simm.s32 @p0 $0x0  }
0x18: {  	[tilespmem:s0], [sflag:$0x7] =	stream.linear.gather @p0 [hbm4b:s7+s0], $0x7A50, $0x38;
	[tilespmem:$0x1C480] =	vst v63  }
0x19: {  	s0 =	simm.s32 @p0 $0x7  }
0x1a: {  	_ =	swait.ge @p0 [sflag:s0], $0x7A50  }
0x1b: {  	[sflag:s0] =	ssyncset.done @p0 $0x0  }
0x1c: {  	[sflag:s0] =	ssyncadd.s32 @p0 $0xFFFF85B0;
	s0 =	simm.s32 @!p0 $0x0  }
0x1d: {  	[tilespmem:s0], [sflag:$0x7] =	stream.linear.gather @!p0 [hbm4b:s6+s0], $0x7A10, $0x38;
	[tilespmem:$0x1C480] =	vst v63  }
0x1e: {  	s0 =	simm.s32 @!p0 $0x7  }
0x1f: {  	_ =	swait.ge @!p0 [sflag:s0], $0x7A10  }
0x20: {  	[sflag:s0] =	ssyncset.done @!p0 $0x0  }
0x21: {  	[sflag:s0] =	ssyncadd.s32 @!p0 $0xFFFF85F0  }
0x22: {  	s0 =	simm.s32 @!p1 $0x5;
	[bflag:$0x0] =	sbarrier.arrive @p1 $0xFFFF  }
0x23: {  	_ =	swait.ge @!p1 [sflag:s0], $0xA00  }
0x24: {  	[sflag:s0] =	ssyncset.done @!p1 $0x0  }
0x25: {  	[sflag:s0] =	ssyncadd.s32 @!p1 $0xFFFFF600  }
0x26: {  	s0 =	simm.s32 @!p1 $0x1C06;
	[bflag:$0x0] =	sbarrier.arrive @!p1 $0xFFFF  }
0x27: {  	[spmem:s21], [sflag:s0] =	dma.local @!p1 [hbm:s8], $0xA00  }
0x28: {  	[tilespmem:s22], [sflag:$0x3] =	stream.linear.gather [spmem:s1], $0x5000, $0x38;
	[tilespmem:$0x1C480] =	vst v63  }
0x29: {  	_ =	swait.ge [sflag:s23], $0x5000  }
0x2a: {  	[sflag:s23] =	ssyncset.done $0x0  }
0x2b: {  	[sflag:s23] =	ssyncadd.s32 $0xFFFFB000  }
0x2c: {  	s0 =	simm.s32 @!p1 $0x6;
	[bflag:$0x0] =	sbarrier.arrive @p1 $0xFFFF  }
0x2d: {  	_ =	swait.ge @!p1 [sflag:s0], $0xA00  }
0x2e: {  	[sflag:s0] =	ssyncset.done @!p1 $0x0  }
0x2f: {  	[sflag:s0] =	ssyncadd.s32 @!p1 $0xFFFFF600  }
0x30: {  	[bflag:$0x0] =	sbarrier.arrive @!p1 $0xFFFF  }
0x31: {  	[spmem:s19], [sflag:s31] =	dma.local @!p1 [hbm:s9], $0xA00  }
0x32: {  	[tilespmem:s24], [sflag:$0x4] =	stream.linear.gather [spmem:s2], $0x5000, $0x38;
	[tilespmem:$0x1C480] =	vst v63  }
0x33: {  	_ =	swait.ge [sflag:s25], $0x5000  }
0x34: {  	[sflag:s25] =	ssyncset.done $0x0  }
0x35: {  	s0 =	simm.s32 $0x0;
	[sflag:s25] =	ssyncadd.s32 $0xFFFFB000  }
0x36: {  	[tilespmem:s26], [sflag:$0x2] =	stream.linear.gather [hbm4b:s10+s3], $0x5000, $0x38;
	[tilespmem:$0x1C480] =	vst v63  }
0x37: {  	v5 =	vld [tilespmem:s0+$0x7AD0]  }
0x38: {  	v6 =	vld [tilespmem:s0+$0x7AC0]  }
0x39: {  	v7 =	vld [tilespmem:s0+$0x7AB0]  }
0x3a: {  	v8 =	vld [tilespmem:s0+$0x7AA0]  }
0x3b: {  	v3 =	vld [tilespmem:s0+$0x7A80]  }
0x3c: {  	v4 =	vld [tilespmem:s0+$0x7A90]  }
0x3d: {  	v12 =	vld [tilespmem:s0+$0x11A80]  }
0x3e: {  	v9 =	vld [tilespmem:s0+$0x7AE0]  }
0x3f: {  	v14 =	vld [tilespmem:s0+$0x11A90]  }
0x40: {  	v2 =	vld [tilespmem:s0+$0x11AE0];
	v10 =	vsub.s32 v3, v0  }
0x41: {  	v15 =	vld [tilespmem:s0+$0x7AF0];
	v4 =	vsub.s32 v4, v0;
	v13 =	vmin.u32 v10, v1  }
0x42: {  	v3 =	vld [tilespmem:s0+$0x11AA0];
	v8 =	vsub.s32 v8, v0;
	v16 =	vmin.u32 v4, v1  }
0x43: {  	v11 =	vsub.s32 v5, v0;
	v5 =	vld [tilespmem:s0+$0x11AB0];
	v10 =	vsub.s32 v7, v0;
	v7 =	vmin.u32 v8, v1  }
0x44: {  	v6 =	vsub.s32 v6, v0;
	v17 =	vsub.s32 v9, v0;
	v4 =	vld [tilespmem:s0+$0x11AD0];
	v9 =	vmin.u32 v10, v1  }
0x45: {  	v8 =	vld [tilespmem:s0+$0x11AC0];
	v10 =	vmin.u32 v6, v1  }
0x46: {  	v15 =	vsub.s32 v15, v0;
	v11 =	vmin.u32 v11, v1;
	v6 =	vld [tilespmem:s0+$0x11AF0];
	[tilespmem:v13+s3+$0x0] =	vst.idx.msk $0xffff, v12  }
0x47: {  	s31 =	simm.s32 $0x200;
	v12 =	vmin.u32 v17, v1;
	v13 =	vmin.u32 v15, v1;
	[tilespmem:v16+s3+$0x0] =	vst.idx.msk $0xffff, v14  }
.LBB2_2:
0x48: {  	p2 =	sne.s32 s31, $0x13E00;
	[tilespmem:v7+s3+$0x0] =	vst.idx.msk $0xffff, v3;
	s0 =	smov.u32 s31;
	s31 =	sadd.s32 $0x200, s31  }
0x49: {  	[tilespmem:v9+s3+$0x0] =	vst.idx.msk $0xffff, v5  }
0x4a: {  	[tilespmem:v10+s3+$0x0] =	vst.idx.msk $0xffff, v8  }
0x4b: {  	[tilespmem:v11+s3+$0x0] =	vst.idx.msk $0xffff, v4  }
0x4c: {  	[tilespmem:v12+s3+$0x0] =	vst.idx.msk $0xffff, v2  }
0x4d: {  	s0 =	sshra.s32 s0, $0x2;
	[tilespmem:v13+s3+$0x0] =	vst.idx.msk $0xffff, v6  }
0x4e: {  	v2 =	vld [tilespmem:s0+$0x7AD0]  }
0x4f: {  	v3 =	vld [tilespmem:s0+$0x7AC0]  }
0x50: {  	v4 =	vld [tilespmem:s0+$0x7AB0]  }
0x51: {  	v5 =	vld [tilespmem:s0+$0x7AA0]  }
0x52: {  	v6 =	vld [tilespmem:s0+$0x7A90]  }
0x53: {  	v7 =	vld [tilespmem:s0+$0x7A80];
	v11 =	vsub.s32 v2, v0  }
0x54: {  	v13 =	vld [tilespmem:s0+$0x11A80];
	v8 =	vsub.s32 v3, v0  }
0x55: {  	v9 =	vsub.s32 v4, v0;
	v10 =	vld [tilespmem:s0+$0x7AE0]  }
0x56: {  	v14 =	vld [tilespmem:s0+$0x11A90];
	v4 =	vsub.s32 v5, v0  }
0x57: {  	v5 =	vsub.s32 v6, v0;
	v2 =	vld [tilespmem:s0+$0x11AE0]  }
0x58: {  	v6 =	vsub.s32 v7, v0;
	v3 =	vld [tilespmem:s0+$0x11AA0]  }
0x59: {  	v16 =	vmin.u32 v5, v1;
	v15 =	vmin.u32 v6, v1;
	v17 =	vld [tilespmem:s0+$0x7AF0]  }
0x5a: {  	v7 =	vmin.u32 v4, v1;
	v4 =	vld [tilespmem:s0+$0x11AD0];
	v12 =	vsub.s32 v10, v0  }
.Ltmp0:
0x5b: {  	v9 =	vmin.u32 v9, v1;
	v5 =	vld [tilespmem:s0+$0x11AB0];
	(pc) =	sbr.rel @p2 .LBB2_2-.Ltmp0, $4  }
0x5c: {  	v10 =	vmin.u32 v8, v1;
	v8 =	vld [tilespmem:s0+$0x11AC0]  }
0x5d: {  	v11 =	vmin.u32 v11, v1;
	v6 =	vld [tilespmem:s0+$0x11AF0]  }
0x5e: {  	v12 =	vmin.u32 v12, v1;
	v17 =	vsub.s32 v17, v0;
	[tilespmem:v15+s3+$0x0] =	vst.idx.msk $0xffff, v13  }
0x5f: {  	v13 =	vmin.u32 v17, v1;
	[tilespmem:v16+s3+$0x0] =	vst.idx.msk $0xffff, v14  }
0x60: {  	_ =	sdelay $0x3  }
0x61: {  	[tilespmem:v7+s3+$0x0] =	vst.idx.msk $0xffff, v3  }
0x62: {  	[tilespmem:v9+s3+$0x0] =	vst.idx.msk $0xffff, v5  }
0x63: {  	[tilespmem:v10+s3+$0x0] =	vst.idx.msk $0xffff, v8  }
0x64: {  	[tilespmem:v11+s3+$0x0] =	vst.idx.msk $0xffff, v4  }
0x65: {  	[tilespmem:v12+s3+$0x0] =	vst.idx.msk $0xffff, v2  }
0x66: {  	[tilespmem:v13+s3+$0x0] =	vst.idx.msk $0xffff, v6  }
0x67: {  	_ =	swait.ge [sflag:s28], $0x5000  }
0x68: {  	[sflag:s28] =	ssyncset.done $0x0  }
0x69: {  	[sflag:s28] =	ssyncadd.s32 $0xFFFFB000  }
0x6a: {  	s0 =	simm.s32 @!p1 $0x5;
	[bflag:$0x0] =	sbarrier.arrive @p1 $0xFFFF  }
0x6b: {  	_ =	swait.ge @!p1 [sflag:s0], $0xA00  }
0x6c: {  	[sflag:s0] =	ssyncset.done @!p1 $0x0  }
0x6d: {  	[sflag:s0] =	ssyncadd.s32 @!p1 $0xFFFFF600  }
0x6e: {  	s0 =	simm.s32 @!p1 $0x1C06;
	[bflag:$0x0] =	sbarrier.arrive @!p1 $0xFFFF  }
0x6f: {  	[spmem:s21], [sflag:s0] =	dma.local @!p1 [hbm:s11], $0xA00  }
0x70: {  	[tilespmem:s22], [sflag:$0x3] =	stream.linear.gather [spmem:s1], $0x5000, $0x38;
	[tilespmem:$0x1C480] =	vst v63  }
0x71: {  	_ =	swait.ge [sflag:s29], $0x5000  }
0x72: {  	[sflag:s29] =	ssyncset.done $0x0  }
0x73: {  	s0 =	simm.s32 $0x0;
	[sflag:s29] =	ssyncadd.s32 $0xFFFFB000  }
0x74: {  	[tilespmem:s20], [sflag:$0x1] =	stream.linear.gather [hbm4b:s12+s0], $0x5000, $0x38;
	[tilespmem:$0x1C480] =	vst v63  }
0x75: {  	s0 =	simm.s32 $0x0  }
0x76: {  	v5 =	vld [tilespmem:s0+$0xCAD0]  }
0x77: {  	v6 =	vld [tilespmem:s0+$0xCAC0]  }
0x78: {  	v7 =	vld [tilespmem:s0+$0xCAB0]  }
0x79: {  	v8 =	vld [tilespmem:s0+$0xCAA0]  }
0x7a: {  	v3 =	vld [tilespmem:s0+$0xCA80]  }
0x7b: {  	v4 =	vld [tilespmem:s0+$0xCA90]  }
0x7c: {  	v12 =	vld [tilespmem:s0+$0x16A80]  }
0x7d: {  	v9 =	vld [tilespmem:s0+$0xCAE0]  }
0x7e: {  	v14 =	vld [tilespmem:s0+$0x16A90]  }
0x7f: {  	v2 =	vld [tilespmem:s0+$0x16AE0];
	v10 =	vsub.s32 v3, v0  }
0x80: {  	v15 =	vld [tilespmem:s0+$0xCAF0];
	v4 =	vsub.s32 v4, v0;
	v13 =	vmin.u32 v10, v1  }
0x81: {  	v3 =	vld [tilespmem:s0+$0x16AA0];
	v8 =	vsub.s32 v8, v0;
	v16 =	vmin.u32 v4, v1  }
0x82: {  	v11 =	vsub.s32 v5, v0;
	v5 =	vld [tilespmem:s0+$0x16AB0];
	v10 =	vsub.s32 v7, v0;
	v7 =	vmin.u32 v8, v1  }
0x83: {  	v6 =	vsub.s32 v6, v0;
	v17 =	vsub.s32 v9, v0;
	v4 =	vld [tilespmem:s0+$0x16AD0];
	v9 =	vmin.u32 v10, v1  }
0x84: {  	v8 =	vld [tilespmem:s0+$0x16AC0];
	v10 =	vmin.u32 v6, v1  }
0x85: {  	v15 =	vsub.s32 v15, v0;
	v11 =	vmin.u32 v11, v1;
	v6 =	vld [tilespmem:s0+$0x16AF0];
	[tilespmem:v13+s3+$0x0] =	vst.idx.msk $0xffff, v12  }
0x86: {  	s31 =	simm.s32 $0x200;
	v12 =	vmin.u32 v17, v1;
	v13 =	vmin.u32 v15, v1;
	[tilespmem:v16+s3+$0x0] =	vst.idx.msk $0xffff, v14  }
.LBB2_4:
0x87: {  	p2 =	sne.s32 s31, $0x13E00;
	[tilespmem:v7+s3+$0x0] =	vst.idx.msk $0xffff, v3;
	s0 =	smov.u32 s31;
	s31 =	sadd.s32 $0x200, s31  }
0x88: {  	[tilespmem:v9+s3+$0x0] =	vst.idx.msk $0xffff, v5  }
0x89: {  	[tilespmem:v10+s3+$0x0] =	vst.idx.msk $0xffff, v8  }
0x8a: {  	[tilespmem:v11+s3+$0x0] =	vst.idx.msk $0xffff, v4  }
0x8b: {  	[tilespmem:v12+s3+$0x0] =	vst.idx.msk $0xffff, v2  }
0x8c: {  	s0 =	sshra.s32 s0, $0x2;
	[tilespmem:v13+s3+$0x0] =	vst.idx.msk $0xffff, v6  }
0x8d: {  	v2 =	vld [tilespmem:s0+$0xCAD0]  }
0x8e: {  	v3 =	vld [tilespmem:s0+$0xCAC0]  }
0x8f: {  	v4 =	vld [tilespmem:s0+$0xCAB0]  }
0x90: {  	v5 =	vld [tilespmem:s0+$0xCAA0]  }
0x91: {  	v6 =	vld [tilespmem:s0+$0xCA90]  }
0x92: {  	v7 =	vld [tilespmem:s0+$0xCA80];
	v11 =	vsub.s32 v2, v0  }
0x93: {  	v13 =	vld [tilespmem:s0+$0x16A80];
	v8 =	vsub.s32 v3, v0  }
0x94: {  	v9 =	vsub.s32 v4, v0;
	v10 =	vld [tilespmem:s0+$0xCAE0]  }
0x95: {  	v14 =	vld [tilespmem:s0+$0x16A90];
	v4 =	vsub.s32 v5, v0  }
0x96: {  	v5 =	vsub.s32 v6, v0;
	v2 =	vld [tilespmem:s0+$0x16AE0]  }
0x97: {  	v6 =	vsub.s32 v7, v0;
	v3 =	vld [tilespmem:s0+$0x16AA0]  }
0x98: {  	v16 =	vmin.u32 v5, v1;
	v15 =	vmin.u32 v6, v1;
	v17 =	vld [tilespmem:s0+$0xCAF0]  }
0x99: {  	v7 =	vmin.u32 v4, v1;
	v4 =	vld [tilespmem:s0+$0x16AD0];
	v12 =	vsub.s32 v10, v0  }
.Ltmp1:
0x9a: {  	v9 =	vmin.u32 v9, v1;
	v5 =	vld [tilespmem:s0+$0x16AB0];
	(pc) =	sbr.rel @p2 .LBB2_4-.Ltmp1, $4  }
0x9b: {  	v10 =	vmin.u32 v8, v1;
	v8 =	vld [tilespmem:s0+$0x16AC0]  }
0x9c: {  	v11 =	vmin.u32 v11, v1;
	v6 =	vld [tilespmem:s0+$0x16AF0]  }
0x9d: {  	v12 =	vmin.u32 v12, v1;
	v17 =	vsub.s32 v17, v0;
	[tilespmem:v15+s3+$0x0] =	vst.idx.msk $0xffff, v13  }
0x9e: {  	v13 =	vmin.u32 v17, v1;
	[tilespmem:v16+s3+$0x0] =	vst.idx.msk $0xffff, v14  }
0x9f: {  	_ =	sdelay $0x3  }
0xa0: {  	[tilespmem:v7+s3+$0x0] =	vst.idx.msk $0xffff, v3  }
0xa1: {  	[tilespmem:v9+s3+$0x0] =	vst.idx.msk $0xffff, v5  }
0xa2: {  	[tilespmem:v10+s3+$0x0] =	vst.idx.msk $0xffff, v8  }
0xa3: {  	[tilespmem:v11+s3+$0x0] =	vst.idx.msk $0xffff, v4  }
0xa4: {  	[tilespmem:v12+s3+$0x0] =	vst.idx.msk $0xffff, v2  }
0xa5: {  	[tilespmem:v13+s3+$0x0] =	vst.idx.msk $0xffff, v6  }
0xa6: {  	_ =	swait.ge [sflag:s23], $0x5000  }
0xa7: {  	[sflag:s23] =	ssyncset.done $0x0  }
0xa8: {  	[sflag:s23] =	ssyncadd.s32 $0xFFFFB000  }
0xa9: {  	s0 =	simm.s32 @!p1 $0x6;
	[bflag:$0x0] =	sbarrier.arrive @p1 $0xFFFF  }
0xaa: {  	_ =	swait.ge @!p1 [sflag:s0], $0xA00  }
0xab: {  	[sflag:s0] =	ssyncset.done @!p1 $0x0  }
0xac: {  	[sflag:s0] =	ssyncadd.s32 @!p1 $0xFFFFF600  }
0xad: {  	s0 =	simm.s32 @!p1 $0x1C05;
	[bflag:$0x0] =	sbarrier.arrive @!p1 $0xFFFF  }
0xae: {  	[spmem:s19], [sflag:s0] =	dma.local @!p1 [hbm:s13], $0xA00  }
0xaf: {  	[tilespmem:s24], [sflag:$0x4] =	stream.linear.gather [spmem:s2], $0x5000, $0x38;
	[tilespmem:$0x1C480] =	vst v63  }
0xb0: {  	_ =	swait.ge [sflag:s25], $0x5000  }
0xb1: {  	[sflag:s25] =	ssyncset.done $0x0  }
0xb2: {  	s0 =	simm.s32 $0x0;
	[sflag:s25] =	ssyncadd.s32 $0xFFFFB000  }
0xb3: {  	[tilespmem:s26], [sflag:$0x2] =	stream.linear.gather [hbm4b:s14+s0], $0x5000, $0x38;
	[tilespmem:$0x1C480] =	vst v63  }
0xb4: {  	s0 =	simm.s32 $0x0  }
0xb5: {  	v5 =	vld [tilespmem:s0+$0x7AD0]  }
0xb6: {  	v6 =	vld [tilespmem:s0+$0x7AC0]  }
0xb7: {  	v7 =	vld [tilespmem:s0+$0x7AB0]  }
0xb8: {  	v8 =	vld [tilespmem:s0+$0x7AA0]  }
0xb9: {  	v3 =	vld [tilespmem:s0+$0x7A80]  }
0xba: {  	v4 =	vld [tilespmem:s0+$0x7A90]  }
0xbb: {  	v12 =	vld [tilespmem:s0+$0x11A80]  }
0xbc: {  	v9 =	vld [tilespmem:s0+$0x7AE0]  }
0xbd: {  	v14 =	vld [tilespmem:s0+$0x11A90]  }
0xbe: {  	v2 =	vld [tilespmem:s0+$0x11AE0];
	v10 =	vsub.s32 v3, v0  }
0xbf: {  	v15 =	vld [tilespmem:s0+$0x7AF0];
	v4 =	vsub.s32 v4, v0;
	v13 =	vmin.u32 v10, v1  }
0xc0: {  	v3 =	vld [tilespmem:s0+$0x11AA0];
	v8 =	vsub.s32 v8, v0;
	v16 =	vmin.u32 v4, v1  }
0xc1: {  	v11 =	vsub.s32 v5, v0;
	v5 =	vld [tilespmem:s0+$0x11AB0];
	v10 =	vsub.s32 v7, v0;
	v7 =	vmin.u32 v8, v1  }
0xc2: {  	v6 =	vsub.s32 v6, v0;
	v17 =	vsub.s32 v9, v0;
	v4 =	vld [tilespmem:s0+$0x11AD0];
	v9 =	vmin.u32 v10, v1  }
0xc3: {  	v8 =	vld [tilespmem:s0+$0x11AC0];
	v10 =	vmin.u32 v6, v1  }
0xc4: {  	v15 =	vsub.s32 v15, v0;
	v11 =	vmin.u32 v11, v1;
	v6 =	vld [tilespmem:s0+$0x11AF0];
	[tilespmem:v13+s3+$0x0] =	vst.idx.msk $0xffff, v12  }
0xc5: {  	s31 =	simm.s32 $0x200;
	v12 =	vmin.u32 v17, v1;
	v13 =	vmin.u32 v15, v1;
	[tilespmem:v16+s3+$0x0] =	vst.idx.msk $0xffff, v14  }
.LBB2_6:
0xc6: {  	p2 =	sne.s32 s31, $0x13E00;
	[tilespmem:v7+s3+$0x0] =	vst.idx.msk $0xffff, v3;
	s0 =	smov.u32 s31;
	s31 =	sadd.s32 $0x200, s31  }
0xc7: {  	[tilespmem:v9+s3+$0x0] =	vst.idx.msk $0xffff, v5  }
0xc8: {  	[tilespmem:v10+s3+$0x0] =	vst.idx.msk $0xffff, v8  }
0xc9: {  	[tilespmem:v11+s3+$0x0] =	vst.idx.msk $0xffff, v4  }
0xca: {  	[tilespmem:v12+s3+$0x0] =	vst.idx.msk $0xffff, v2  }
0xcb: {  	s0 =	sshra.s32 s0, $0x2;
	[tilespmem:v13+s3+$0x0] =	vst.idx.msk $0xffff, v6  }
0xcc: {  	v2 =	vld [tilespmem:s0+$0x7AD0]  }
0xcd: {  	v3 =	vld [tilespmem:s0+$0x7AC0]  }
0xce: {  	v4 =	vld [tilespmem:s0+$0x7AB0]  }
0xcf: {  	v5 =	vld [tilespmem:s0+$0x7AA0]  }
0xd0: {  	v6 =	vld [tilespmem:s0+$0x7A90]  }
0xd1: {  	v7 =	vld [tilespmem:s0+$0x7A80];
	v11 =	vsub.s32 v2, v0  }
0xd2: {  	v13 =	vld [tilespmem:s0+$0x11A80];
	v8 =	vsub.s32 v3, v0  }
0xd3: {  	v9 =	vsub.s32 v4, v0;
	v10 =	vld [tilespmem:s0+$0x7AE0]  }
0xd4: {  	v14 =	vld [tilespmem:s0+$0x11A90];
	v4 =	vsub.s32 v5, v0  }
0xd5: {  	v5 =	vsub.s32 v6, v0;
	v2 =	vld [tilespmem:s0+$0x11AE0]  }
0xd6: {  	v6 =	vsub.s32 v7, v0;
	v3 =	vld [tilespmem:s0+$0x11AA0]  }
0xd7: {  	v16 =	vmin.u32 v5, v1;
	v15 =	vmin.u32 v6, v1;
	v17 =	vld [tilespmem:s0+$0x7AF0]  }
0xd8: {  	v7 =	vmin.u32 v4, v1;
	v4 =	vld [tilespmem:s0+$0x11AD0];
	v12 =	vsub.s32 v10, v0  }
.Ltmp2:
0xd9: {  	v9 =	vmin.u32 v9, v1;
	v5 =	vld [tilespmem:s0+$0x11AB0];
	(pc) =	sbr.rel @p2 .LBB2_6-.Ltmp2, $4  }
0xda: {  	v10 =	vmin.u32 v8, v1;
	v8 =	vld [tilespmem:s0+$0x11AC0]  }
0xdb: {  	v11 =	vmin.u32 v11, v1;
	v6 =	vld [tilespmem:s0+$0x11AF0]  }
0xdc: {  	v12 =	vmin.u32 v12, v1;
	v17 =	vsub.s32 v17, v0;
	[tilespmem:v15+s3+$0x0] =	vst.idx.msk $0xffff, v13  }
0xdd: {  	v13 =	vmin.u32 v17, v1;
	[tilespmem:v16+s3+$0x0] =	vst.idx.msk $0xffff, v14  }
0xde: {  	_ =	sdelay $0x3  }
0xdf: {  	[tilespmem:v7+s3+$0x0] =	vst.idx.msk $0xffff, v3  }
0xe0: {  	[tilespmem:v9+s3+$0x0] =	vst.idx.msk $0xffff, v5  }
0xe1: {  	[tilespmem:v10+s3+$0x0] =	vst.idx.msk $0xffff, v8  }
0xe2: {  	[tilespmem:v11+s3+$0x0] =	vst.idx.msk $0xffff, v4  }
0xe3: {  	[tilespmem:v12+s3+$0x0] =	vst.idx.msk $0xffff, v2  }
0xe4: {  	[tilespmem:v13+s3+$0x0] =	vst.idx.msk $0xffff, v6  }
0xe5: {  	_ =	swait.ge [sflag:s28], $0x5000  }
0xe6: {  	[sflag:s28] =	ssyncset.done $0x0  }
0xe7: {  	s0 =	simm.s32 @!p1 $0x5;
	[sflag:s28] =	ssyncadd.s32 $0xFFFFB000  }
0xe8: {  	_ =	swait.ge @!p1 [sflag:s0], $0xA00  }
0xe9: {  	[sflag:s0] =	ssyncset.done @!p1 $0x0  }
0xea: {  	[sflag:s0] =	ssyncadd.s32 @!p1 $0xFFFFF600  }
0xeb: {  	[bflag:$0x0] =	sbarrier.arrive $0xFFFF  }
0xec: {  	[tilespmem:s22], [sflag:$0x3] =	stream.linear.gather [spmem:s1], $0x5000, $0x38;
	[tilespmem:$0x1C480] =	vst v63  }
0xed: {  	_ =	swait.ge [sflag:s29], $0x5000  }
0xee: {  	[sflag:s29] =	ssyncset.done $0x0  }
0xef: {  	s0 =	simm.s32 $0x0;
	[sflag:s29] =	ssyncadd.s32 $0xFFFFB000  }
0xf0: {  	[tilespmem:s20], [sflag:$0x1] =	stream.linear.gather [hbm4b:s15+s0], $0x5000, $0x38;
	[tilespmem:$0x1C480] =	vst v63  }
0xf1: {  	s0 =	simm.s32 $0x0  }
0xf2: {  	v5 =	vld [tilespmem:s0+$0xCAD0]  }
0xf3: {  	v6 =	vld [tilespmem:s0+$0xCAC0]  }
0xf4: {  	v7 =	vld [tilespmem:s0+$0xCAB0]  }
0xf5: {  	v8 =	vld [tilespmem:s0+$0xCAA0]  }
0xf6: {  	v3 =	vld [tilespmem:s0+$0xCA80]  }
0xf7: {  	v4 =	vld [tilespmem:s0+$0xCA90]  }
0xf8: {  	v12 =	vld [tilespmem:s0+$0x16A80]  }
0xf9: {  	v9 =	vld [tilespmem:s0+$0xCAE0]  }
0xfa: {  	v14 =	vld [tilespmem:s0+$0x16A90]  }
0xfb: {  	v2 =	vld [tilespmem:s0+$0x16AE0];
	v10 =	vsub.s32 v3, v0  }
0xfc: {  	v15 =	vld [tilespmem:s0+$0xCAF0];
	v4 =	vsub.s32 v4, v0;
	v13 =	vmin.u32 v10, v1  }
0xfd: {  	v3 =	vld [tilespmem:s0+$0x16AA0];
	v8 =	vsub.s32 v8, v0;
	v16 =	vmin.u32 v4, v1  }
0xfe: {  	v11 =	vsub.s32 v5, v0;
	v5 =	vld [tilespmem:s0+$0x16AB0];
	v10 =	vsub.s32 v7, v0;
	v7 =	vmin.u32 v8, v1  }
0xff: {  	v6 =	vsub.s32 v6, v0;
	v17 =	vsub.s32 v9, v0;
	v4 =	vld [tilespmem:s0+$0x16AD0];
	v9 =	vmin.u32 v10, v1  }
0x100: {  	v8 =	vld [tilespmem:s0+$0x16AC0];
	v10 =	vmin.u32 v6, v1  }
0x101: {  	v15 =	vsub.s32 v15, v0;
	v11 =	vmin.u32 v11, v1;
	v6 =	vld [tilespmem:s0+$0x16AF0];
	[tilespmem:v13+s3+$0x0] =	vst.idx.msk $0xffff, v12  }
0x102: {  	s31 =	simm.s32 $0x200;
	v12 =	vmin.u32 v17, v1;
	v13 =	vmin.u32 v15, v1;
	[tilespmem:v16+s3+$0x0] =	vst.idx.msk $0xffff, v14  }
.LBB2_8:
0x103: {  	p2 =	sne.s32 s31, $0x13E00;
	[tilespmem:v7+s3+$0x0] =	vst.idx.msk $0xffff, v3;
	s0 =	smov.u32 s31;
	s31 =	sadd.s32 $0x200, s31  }
0x104: {  	[tilespmem:v9+s3+$0x0] =	vst.idx.msk $0xffff, v5  }
0x105: {  	[tilespmem:v10+s3+$0x0] =	vst.idx.msk $0xffff, v8  }
0x106: {  	[tilespmem:v11+s3+$0x0] =	vst.idx.msk $0xffff, v4  }
0x107: {  	[tilespmem:v12+s3+$0x0] =	vst.idx.msk $0xffff, v2  }
0x108: {  	s0 =	sshra.s32 s0, $0x2;
	[tilespmem:v13+s3+$0x0] =	vst.idx.msk $0xffff, v6  }
0x109: {  	v2 =	vld [tilespmem:s0+$0xCAD0]  }
0x10a: {  	v3 =	vld [tilespmem:s0+$0xCAC0]  }
0x10b: {  	v4 =	vld [tilespmem:s0+$0xCAB0]  }
0x10c: {  	v5 =	vld [tilespmem:s0+$0xCAA0]  }
0x10d: {  	v6 =	vld [tilespmem:s0+$0xCA90]  }
0x10e: {  	v7 =	vld [tilespmem:s0+$0xCA80];
	v11 =	vsub.s32 v2, v0  }
0x10f: {  	v13 =	vld [tilespmem:s0+$0x16A80];
	v8 =	vsub.s32 v3, v0  }
0x110: {  	v9 =	vsub.s32 v4, v0;
	v10 =	vld [tilespmem:s0+$0xCAE0]  }
0x111: {  	v14 =	vld [tilespmem:s0+$0x16A90];
	v4 =	vsub.s32 v5, v0  }
0x112: {  	v5 =	vsub.s32 v6, v0;
	v2 =	vld [tilespmem:s0+$0x16AE0]  }
0x113: {  	v6 =	vsub.s32 v7, v0;
	v3 =	vld [tilespmem:s0+$0x16AA0]  }
0x114: {  	v16 =	vmin.u32 v5, v1;
	v15 =	vmin.u32 v6, v1;
	v17 =	vld [tilespmem:s0+$0xCAF0]  }
0x115: {  	v7 =	vmin.u32 v4, v1;
	v4 =	vld [tilespmem:s0+$0x16AD0];
	v12 =	vsub.s32 v10, v0  }
.Ltmp3:
0x116: {  	v9 =	vmin.u32 v9, v1;
	v5 =	vld [tilespmem:s0+$0x16AB0];
	(pc) =	sbr.rel @p2 .LBB2_8-.Ltmp3, $4  }
0x117: {  	v10 =	vmin.u32 v8, v1;
	v8 =	vld [tilespmem:s0+$0x16AC0]  }
0x118: {  	v11 =	vmin.u32 v11, v1;
	v6 =	vld [tilespmem:s0+$0x16AF0]  }
0x119: {  	v12 =	vmin.u32 v12, v1;
	v17 =	vsub.s32 v17, v0;
	[tilespmem:v15+s3+$0x0] =	vst.idx.msk $0xffff, v13  }
0x11a: {  	v13 =	vmin.u32 v17, v1;
	[tilespmem:v16+s3+$0x0] =	vst.idx.msk $0xffff, v14  }
0x11b: {  	_ =	sdelay $0x3  }
0x11c: {  	[tilespmem:v7+s3+$0x0] =	vst.idx.msk $0xffff, v3  }
0x11d: {  	[tilespmem:v9+s3+$0x0] =	vst.idx.msk $0xffff, v5  }
0x11e: {  	[tilespmem:v10+s3+$0x0] =	vst.idx.msk $0xffff, v8  }
0x11f: {  	[tilespmem:v11+s3+$0x0] =	vst.idx.msk $0xffff, v4  }
0x120: {  	[tilespmem:v12+s3+$0x0] =	vst.idx.msk $0xffff, v2  }
0x121: {  	[tilespmem:v13+s3+$0x0] =	vst.idx.msk $0xffff, v6  }
0x122: {  	_ =	swait.ge [sflag:s23], $0x5000  }
0x123: {  	[sflag:s23] =	ssyncset.done $0x0  }
0x124: {  	[sflag:s23] =	ssyncadd.s32 $0xFFFFB000  }
0x125: {  	[bflag:$0x0] =	sbarrier.arrive $0xFFFF  }
0x126: {  	_ =	swait.ge [sflag:s25], $0x5000  }
0x127: {  	[sflag:s25] =	ssyncset.done $0x0  }
0x128: {  	s0 =	simm.s32 $0x0;
	[sflag:s25] =	ssyncadd.s32 $0xFFFFB000  }
0x129: {  	v5 =	vld [tilespmem:s0+$0x7AD0]  }
0x12a: {  	v6 =	vld [tilespmem:s0+$0x7AC0]  }
0x12b: {  	v7 =	vld [tilespmem:s0+$0x7AB0]  }
0x12c: {  	v8 =	vld [tilespmem:s0+$0x7AA0]  }
0x12d: {  	v3 =	vld [tilespmem:s0+$0x7A80]  }
0x12e: {  	v4 =	vld [tilespmem:s0+$0x7A90]  }
0x12f: {  	v12 =	vld [tilespmem:s0+$0x11A80]  }
0x130: {  	v9 =	vld [tilespmem:s0+$0x7AE0]  }
0x131: {  	v14 =	vld [tilespmem:s0+$0x11A90]  }
0x132: {  	v2 =	vld [tilespmem:s0+$0x11AE0];
	v10 =	vsub.s32 v3, v0  }
0x133: {  	v15 =	vld [tilespmem:s0+$0x7AF0];
	v4 =	vsub.s32 v4, v0;
	v13 =	vmin.u32 v10, v1  }
0x134: {  	v3 =	vld [tilespmem:s0+$0x11AA0];
	v8 =	vsub.s32 v8, v0;
	v16 =	vmin.u32 v4, v1  }
0x135: {  	v11 =	vsub.s32 v5, v0;
	v5 =	vld [tilespmem:s0+$0x11AB0];
	v10 =	vsub.s32 v7, v0;
	v7 =	vmin.u32 v8, v1  }
0x136: {  	v6 =	vsub.s32 v6, v0;
	v17 =	vsub.s32 v9, v0;
	v4 =	vld [tilespmem:s0+$0x11AD0];
	v9 =	vmin.u32 v10, v1  }
0x137: {  	v8 =	vld [tilespmem:s0+$0x11AC0];
	v10 =	vmin.u32 v6, v1  }
0x138: {  	v15 =	vsub.s32 v15, v0;
	v11 =	vmin.u32 v11, v1;
	v6 =	vld [tilespmem:s0+$0x11AF0];
	[tilespmem:v13+s3+$0x0] =	vst.idx.msk $0xffff, v12  }
0x139: {  	s31 =	simm.s32 $0x200;
	v12 =	vmin.u32 v17, v1;
	v13 =	vmin.u32 v15, v1;
	[tilespmem:v16+s3+$0x0] =	vst.idx.msk $0xffff, v14  }
.LBB2_10:
0x13a: {  	p2 =	sne.s32 s31, $0x13E00;
	[tilespmem:v7+s3+$0x0] =	vst.idx.msk $0xffff, v3;
	s0 =	smov.u32 s31;
	s31 =	sadd.s32 $0x200, s31  }
0x13b: {  	[tilespmem:v9+s3+$0x0] =	vst.idx.msk $0xffff, v5  }
0x13c: {  	[tilespmem:v10+s3+$0x0] =	vst.idx.msk $0xffff, v8  }
0x13d: {  	[tilespmem:v11+s3+$0x0] =	vst.idx.msk $0xffff, v4  }
0x13e: {  	[tilespmem:v12+s3+$0x0] =	vst.idx.msk $0xffff, v2  }
0x13f: {  	s0 =	sshra.s32 s0, $0x2;
	[tilespmem:v13+s3+$0x0] =	vst.idx.msk $0xffff, v6  }
0x140: {  	v2 =	vld [tilespmem:s0+$0x7AD0]  }
0x141: {  	v3 =	vld [tilespmem:s0+$0x7AC0]  }
0x142: {  	v4 =	vld [tilespmem:s0+$0x7AB0]  }
0x143: {  	v5 =	vld [tilespmem:s0+$0x7AA0]  }
0x144: {  	v6 =	vld [tilespmem:s0+$0x7A90]  }
0x145: {  	v7 =	vld [tilespmem:s0+$0x7A80];
	v11 =	vsub.s32 v2, v0  }
0x146: {  	v13 =	vld [tilespmem:s0+$0x11A80];
	v8 =	vsub.s32 v3, v0  }
0x147: {  	v9 =	vsub.s32 v4, v0;
	v10 =	vld [tilespmem:s0+$0x7AE0]  }
0x148: {  	v14 =	vld [tilespmem:s0+$0x11A90];
	v4 =	vsub.s32 v5, v0  }
0x149: {  	v5 =	vsub.s32 v6, v0;
	v2 =	vld [tilespmem:s0+$0x11AE0]  }
0x14a: {  	v6 =	vsub.s32 v7, v0;
	v3 =	vld [tilespmem:s0+$0x11AA0]  }
0x14b: {  	v16 =	vmin.u32 v5, v1;
	v15 =	vmin.u32 v6, v1;
	v17 =	vld [tilespmem:s0+$0x7AF0]  }
0x14c: {  	v7 =	vmin.u32 v4, v1;
	v4 =	vld [tilespmem:s0+$0x11AD0];
	v12 =	vsub.s32 v10, v0  }
.Ltmp4:
0x14d: {  	v9 =	vmin.u32 v9, v1;
	v5 =	vld [tilespmem:s0+$0x11AB0];
	(pc) =	sbr.rel @p2 .LBB2_10-.Ltmp4, $4  }
0x14e: {  	v10 =	vmin.u32 v8, v1;
	v8 =	vld [tilespmem:s0+$0x11AC0]  }
0x14f: {  	v11 =	vmin.u32 v11, v1;
	v6 =	vld [tilespmem:s0+$0x11AF0]  }
0x150: {  	v12 =	vmin.u32 v12, v1;
	v17 =	vsub.s32 v17, v0;
	[tilespmem:v15+s3+$0x0] =	vst.idx.msk $0xffff, v13  }
0x151: {  	v13 =	vmin.u32 v17, v1;
	[tilespmem:v16+s3+$0x0] =	vst.idx.msk $0xffff, v14  }
0x152: {  	_ =	sdelay $0x3  }
0x153: {  	[tilespmem:v7+s3+$0x0] =	vst.idx.msk $0xffff, v3  }
0x154: {  	[tilespmem:v9+s3+$0x0] =	vst.idx.msk $0xffff, v5  }
0x155: {  	[tilespmem:v10+s3+$0x0] =	vst.idx.msk $0xffff, v8  }
0x156: {  	[tilespmem:v11+s3+$0x0] =	vst.idx.msk $0xffff, v4  }
0x157: {  	[tilespmem:v12+s3+$0x0] =	vst.idx.msk $0xffff, v2  }
0x158: {  	s0 =	simm.s32 @p0 $0x0;
	[tilespmem:v13+s3+$0x0] =	vst.idx.msk $0xffff, v6  }
0x159: {  	[hbm4b:s17+s0] =	stream.linear.scatter @p0 [tilespmem:s0], [sflag:$0x7], $0x7A50, $0x38;
	[tilespmem:$0x1C480] =	vst v63  }
0x15a: {  	s0 =	simm.s32 @p0 $0x7  }
0x15b: {  	_ =	swait.ge @p0 [sflag:s0], $0x7A50  }
0x15c: {  	s30 =	sadd.s32 $0x1, s30;
	[sflag:s0] =	ssyncset.done @p0 $0x0  }
0x15d: {  	p2 =	sne.s32 s30, s18;
	[sflag:s0] =	ssyncadd.s32 @p0 $0xFFFF85B0;
	s0 =	simm.s32 @!p0 $0x0  }
0x15e: {  	[hbm4b:s16+s0] =	stream.linear.scatter @!p0 [tilespmem:s0], [sflag:$0x7], $0x7A10, $0x38;
	[tilespmem:$0x1C480] =	vst v63  }
.Ltmp5:
0x15f: {  	_ = 	snop;
	(pc) =	sbr.rel @p2 .LBB2_1-.Ltmp5, $4  }
0x160: {  	s0 =	simm.s32 @!p0 $0x7  }
0x161: {  	_ =	swait.ge @!p0 [sflag:s0], $0x7A10  }
0x162: {  	[sflag:s0] =	ssyncset.done @!p0 $0x0  }
0x163: {  	[sflag:s0] =	ssyncadd.s32 @!p0 $0xFFFF85F0  }
0x164: {  	_ =	sfence.sel $0x180000  }
0x165: {  	[bflag:$0x0] =	sbarrier.arrive $0xFFFF  }
0x166: {  	_ =	strace $0x90000047  }
0x167: {  	[bflag:$0x2] =	sbarrier.arrive $0xFFFF  }
0x168: {  	s0 =	rddreg [dreg:$0x5]  }
0x169: {  	s0 =	sadd.s32 @!p1 $0x100000, s0  }
0x16a: {  	[sflag:s0] =	ssyncadd.tile.s32 @!p1 $0x1;
	_ =	shalt  }
.Lfunc_end2:
_tile_overlayer_lowered:
.L_overlay_start_2:
0x16b: {  	(tag) =	ssettag $0x2  }
0x16c: {  	s0 =	rddreg [dreg:$0x0];
	s2 =	stileid.u32  }
0x16d: {  	s1 =	rddreg [dreg:$0x1];
	p0 =	sne.s32 s2, $0x0  }
0x16e: {  	s3 =	rddreg [dreg:$0x2];
	[bflag:$0x3] =	sbarrier.arrive $0xFFFF;
	s2 =	simm.s32 @!p0 $0x1C07  }
0x16f: {  	[timem:s3], [sflag:s2] =	dma.local @!p0 [hbm:s0], s1  }
0x170: {  	s0 =	simm.s32 @!p0 $0x7  }
0x171: {  	_ =	swait.ge @!p0 [sflag:s0], s1  }
0x172: {  	s1 =	ssub.s32 @!p0 $0x0, s1;
	[sflag:s0] =	ssyncset.done @!p0 $0x0  }
0x173: {  	[sflag:s0] =	ssyncadd.s32 @!p0 s1  }
0x174: {  	[bflag:$0x3] =	sbarrier.arrive $0xFFFF  }
0x175: {  	_ =	shalt  }

</sc_bundles>
